<compile_context>
chip_gen: v7x
topology: tpu7x:2x2x1
jax: 0.10.2.dev20260603
libtpu: 0.0.44.dev20260713+nightly
codegen_flags: <defaults>
</compile_context>

<pallas_src>
import functools

import jax
import jax.numpy as jnp
import numpy as np
from jax import lax
from jax.experimental import pallas as pl
from jax.experimental.pallas import tpu as pltpu
from jax.experimental.pallas import tpu_sc as plsc

_HID = 128
_G4 = 4 * _HID
_N = 10000
_E = 320000
_NW = 32
_EPW = _E // _NW


_GSRC = {"i": 0, "f": 1, "g": 2, "o": 3}
_GDST = {"i": 0, "f": 3, "o": 6, "g": 9}


def _pack_cols(M, W, rowblk, l):
    H = _HID
    WT = W.T
    for g in ("i", "f", "g", "o"):
        src = WT[:, _GSRC[g] * H:(_GSRC[g] + 1) * H]
        c0 = (_GDST[g] + l) * H
        M = M.at[rowblk * H:(rowblk + 1) * H, c0:c0 + H].set(src)
    return M


def _bigmats(Wih0, Whh0, Wih1, Whh1, Wih2, Whh2):
    H = _HID
    WB = jnp.zeros((3 * H, 12 * H), jnp.float32)
    WB = _pack_cols(WB, Whh0, 0, 0)
    WB = _pack_cols(WB, Wih1, 0, 1)
    WB = _pack_cols(WB, Whh1, 1, 1)
    WB = _pack_cols(WB, Wih2, 1, 2)
    WB = _pack_cols(WB, Whh2, 2, 2)
    W0 = jnp.zeros((H, 12 * H), jnp.float32)
    W0 = _pack_cols(W0, Wih0, 0, 0)
    return W0, WB


def _lstm3f_body(C, n, g_ref, w0_ref, wb_ref, y_ref, hn_ref, gxscr, hcscr):
    H = _HID
    c = pl.program_id(0)
    nc = pl.num_programs(0)
    base = c * C
    gxscr[...] = jnp.dot(g_ref[...], w0_ref[...],
                         preferred_element_type=jnp.float32)

    @pl.when(c == 0)
    def _():
        hcscr[...] = jnp.zeros_like(hcscr)

    wb = wb_ref[...]
    steps = jnp.where(c == nc - 1, C + 2, C)

    def step(i, carry):
        h_all, c_all, hs0, hs1 = carry
        gx = gxscr[pl.ds(jnp.minimum(i, C - 1), 1), :]
        zz = gx + jnp.dot(h_all, wb, preferred_element_type=jnp.float32)
        sig = jax.nn.sigmoid(zz[:, 0:9 * H])
        gg = jnp.tanh(zz[:, 9 * H:12 * H])
        ia = sig[:, 0:3 * H]
        fa = sig[:, 3 * H:6 * H]
        oa = sig[:, 6 * H:9 * H]
        c_all = fa * c_all + ia * gg
        h_new = oa * jnp.tanh(c_all)
        widx = jnp.maximum(base + i - 2, 0)
        y_ref[pl.ds(widx, 1), :] = h_new[:, 2 * H:3 * H]
        gi = base + i
        hs0 = jnp.where(gi == n - 1, h_new[:, 0:H], hs0)
        hs1 = jnp.where(gi == n, h_new[:, H:2 * H], hs1)
        return (h_new, c_all, hs0, hs1)

    h_all, c_all, hs0, hs1 = jax.lax.fori_loop(
        0, steps, step,
        (hcscr[0:1, :], hcscr[1:2, :],
         hcscr[2:3, 0:H], hcscr[3:4, 0:H]))
    hcscr[0:1, :] = h_all
    hcscr[1:2, :] = c_all
    hcscr[2:3, 0:H] = hs0
    hcscr[3:4, 0:H] = hs1

    @pl.when(c == nc - 1)
    def _():
        hn_ref[0:1, :] = hs0
        hn_ref[1:2, :] = hs1
        hn_ref[2:3, :] = h_all[:, 2 * H:3 * H]


def _lstm3f(g, W0, WB, C):
    n = g.shape[0]
    nc = n // C
    body = functools.partial(_lstm3f_body, C, n)
    y2, hn = pl.pallas_call(
        body,
        grid=(nc,),
        in_specs=[
            pl.BlockSpec((C, _HID), lambda c: (c, 0)),
            pl.BlockSpec((_HID, 12 * _HID), lambda c: (0, 0)),
            pl.BlockSpec((3 * _HID, 12 * _HID), lambda c: (0, 0)),
        ],
        out_specs=[
            pl.BlockSpec((n, _HID), lambda c: (0, 0)),
            pl.BlockSpec((8, _HID), lambda c: (0, 0)),
        ],
        out_shape=[
            jax.ShapeDtypeStruct((n, _HID), jnp.float32),
            jax.ShapeDtypeStruct((8, _HID), jnp.float32),
        ],
        scratch_shapes=[
            pltpu.VMEM((C, 12 * _HID), jnp.float32),
            pltpu.VMEM((8, 3 * _HID), jnp.float32),
        ],
    )(g, W0, WB)
    return y2, hn[0:3]


def _reorder_ifog(W):
    H = _HID
    WT = W.T
    return jnp.concatenate(
        [WT[:, 0:H], WT[:, H:2 * H], WT[:, 3 * H:4 * H], WT[:, 2 * H:3 * H]],
        axis=1)


def _splitmats(Wih0, Whh0, Wih1, Whh1, Wih2, Whh2):
    W0 = _reorder_ifog(Wih0)
    WA = _reorder_ifog(Whh0).astype(jnp.bfloat16)
    WB1 = jnp.concatenate([_reorder_ifog(Wih1), _reorder_ifog(Whh1)],
                          axis=0).astype(jnp.bfloat16)
    WB2 = jnp.concatenate([_reorder_ifog(Wih2), _reorder_ifog(Whh2)],
                          axis=0).astype(jnp.bfloat16)
    return W0, WA, WB1, WB2


def _mixdot(a, b):
    return lax.dot_general(a, b, (((1,), (0,)), ((), ())),
                           preferred_element_type=jnp.float32)


def _lstm3s_body(C, n, g_ref, w0_ref, wa_ref, wb1_ref, wb2_ref,
                 y_ref, hn_ref, gxscr, hcscr):
    H = _HID
    c = pl.program_id(0)
    nc = pl.num_programs(0)
    base = c * C
    gxscr[...] = jnp.dot(g_ref[...], w0_ref[...],
                         preferred_element_type=jnp.float32)

    @pl.when(c == 0)
    def _():
        hcscr[...] = jnp.zeros_like(hcscr)

    wa = wa_ref[...]
    wb1 = wb1_ref[...]
    wb2 = wb2_ref[...]
    steps = jnp.where(c == nc - 1, C + 2, C)

    def upd(zz, cc):
        sg = jax.nn.sigmoid(zz[:, 0:3 * H])
        gg = jnp.tanh(zz[:, 3 * H:4 * H])
        ccn = sg[:, H:2 * H] * cc + sg[:, 0:H] * gg
        return sg[:, 2 * H:3 * H] * jnp.tanh(ccn), ccn

    def step(i, carry):
        h0, h1, h2, c0, c1, c2, hs0, hs1 = carry
        gx = gxscr[pl.ds(jnp.minimum(i, C - 1), 1), :]
        zz0 = gx + _mixdot(h0, wa)
        zz1 = _mixdot(jnp.concatenate([h0, h1], axis=1), wb1)
        zz2 = _mixdot(jnp.concatenate([h1, h2], axis=1), wb2)
        h0n, c0 = upd(zz0, c0)
        h1n, c1 = upd(zz1, c1)
        h2n, c2 = upd(zz2, c2)
        y_ref[pl.ds(jnp.maximum(base + i - 2, 0), 1), :] = h2n
        gi = base + i
        hs0 = jnp.where(gi == n - 1, h0n, hs0)
        hs1 = jnp.where(gi == n, h1n, hs1)
        return (h0n, h1n, h2n, c0, c1, c2, hs0, hs1)

    out = jax.lax.fori_loop(
        0, steps, step,
        tuple(hcscr[pl.ds(r, 1), :] for r in range(8)))
    for r in range(8):
        hcscr[pl.ds(r, 1), :] = out[r]

    @pl.when(c == nc - 1)
    def _():
        hn_ref[0:1, :] = out[6]
        hn_ref[1:2, :] = out[7]
        hn_ref[2:3, :] = out[2]


def _lstm3s(g, W0, WA, WB1, WB2, C):
    n = g.shape[0]
    nc = n // C
    body = functools.partial(_lstm3s_body, C, n)
    y2, hn = pl.pallas_call(
        body,
        grid=(nc,),
        in_specs=[
            pl.BlockSpec((C, _HID), lambda c: (c, 0)),
            pl.BlockSpec((_HID, _G4), lambda c: (0, 0)),
            pl.BlockSpec((_HID, _G4), lambda c: (0, 0)),
            pl.BlockSpec((2 * _HID, _G4), lambda c: (0, 0)),
            pl.BlockSpec((2 * _HID, _G4), lambda c: (0, 0)),
        ],
        out_specs=[
            pl.BlockSpec((n, _HID), lambda c: (0, 0)),
            pl.BlockSpec((8, _HID), lambda c: (0, 0)),
        ],
        out_shape=[
            jax.ShapeDtypeStruct((n, _HID), jnp.float32),
            jax.ShapeDtypeStruct((8, _HID), jnp.float32),
        ],
        scratch_shapes=[
            pltpu.VMEM((C, _G4), jnp.float32),
            pltpu.VMEM((8, _HID), jnp.float32),
        ],
    )(g, W0, WA, WB1, WB2)
    return y2, hn[0:3]


def _lstm3_body(C, g_ref, wihT_ref, whhT_ref, y_ref, hn_ref, yscr, gxscr, hcscr):
    l = pl.program_id(0)
    c = pl.program_id(1)
    base = c * C

    xin = jnp.where(l == 0, g_ref[...], yscr[pl.ds(base, C), :])
    gxscr[...] = jnp.dot(xin, wihT_ref[0], preferred_element_type=jnp.float32)

    @pl.when(c == 0)
    def _():
        hcscr[...] = jnp.zeros_like(hcscr)

    whh = whhT_ref[0]

    def step(t, carry):
        h, cc = carry
        gates = gxscr[pl.ds(t, 1), :] + jnp.dot(h, whh,
                                                preferred_element_type=jnp.float32)
        i = jax.nn.sigmoid(gates[:, 0:_HID])
        f = jax.nn.sigmoid(gates[:, _HID:2 * _HID])
        gg = jnp.tanh(gates[:, 2 * _HID:3 * _HID])
        o = jax.nn.sigmoid(gates[:, 3 * _HID:4 * _HID])
        cc = f * cc + i * gg
        h = o * jnp.tanh(cc)
        yscr[pl.ds(base + t, 1), :] = h
        return (h, cc)

    h, cc = jax.lax.fori_loop(0, C, step, (hcscr[0:1, :], hcscr[1:2, :]))
    hcscr[0:1, :] = h
    hcscr[1:2, :] = cc
    y_ref[...] = yscr[pl.ds(base, C), :]

    @pl.when(c == pl.num_programs(1) - 1)
    def _():
        hn_ref[pl.ds(l, 1), :] = h


def _lstm3(g, wihT, whhT, C):
    n = g.shape[0]
    nc = n // C
    body = functools.partial(_lstm3_body, C)
    y2, hn = pl.pallas_call(
        body,
        grid=(3, nc),
        in_specs=[
            pl.BlockSpec((C, _HID), lambda l, c: (c, 0)),
            pl.BlockSpec((1, _HID, _G4), lambda l, c: (l, 0, 0)),
            pl.BlockSpec((1, _HID, _G4), lambda l, c: (l, 0, 0)),
        ],
        out_specs=[
            pl.BlockSpec((C, _HID), lambda l, c: (c, 0)),
            pl.BlockSpec((8, _HID), lambda l, c: (0, 0)),
        ],
        out_shape=[
            jax.ShapeDtypeStruct((n, _HID), jnp.float32),
            jax.ShapeDtypeStruct((8, _HID), jnp.float32),
        ],
        scratch_shapes=[
            pltpu.VMEM((n, _HID), jnp.float32),
            pltpu.VMEM((C, _G4), jnp.float32),
            pltpu.VMEM((8, _HID), jnp.float32),
        ],
    )(g, wihT, whhT)
    return y2, hn[0:3]


def _head_body(C, y2_ref, hn_ref, linmp_ref, linap_ref, linhn_ref, linb_ref,
               out_ref, accs):
    c = pl.program_id(0)

    @pl.when(c == 0)
    def _():
        accs[...] = jnp.zeros_like(accs)

    y2 = y2_ref[...]
    rolled = pltpu.roll(y2, _HID - 1, 1)
    sel = jax.lax.broadcasted_iota(jnp.int32, (C, _HID), 1) % 2 == 0
    smat = (jax.lax.broadcasted_iota(jnp.int32, (_HID, _HID // 2), 0) ==
            2 * jax.lax.broadcasted_iota(jnp.int32, (_HID, _HID // 2), 1)
            ).astype(jnp.float32)
    pairmax = jnp.maximum(y2, rolled)
    pairsum = y2 + rolled
    mp = jnp.dot(jnp.where(sel, pairmax, 0.0), smat,
                 preferred_element_type=jnp.float32)
    ap = 0.5 * jnp.dot(jnp.where(sel, pairsum, 0.0), smat,
                       preferred_element_type=jnp.float32)

    accs[0:3, 0:64] += jnp.sum(linmp_ref[...] * mp[None, :, :], axis=1)
    accs[0:3, 64:128] += jnp.sum(linap_ref[...] * ap[None, :, :], axis=1)

    @pl.when(c == pl.num_programs(0) - 1)
    def _():
        hn = hn_ref[...]
        prod = linhn_ref[...] * hn[None, :, :]
        s2 = jnp.sum(prod, axis=2)
        hnpart = jnp.sum(s2, axis=1, keepdims=True)
        logits = (jnp.sum(accs[0:3, :], axis=1, keepdims=True)
                  + hnpart + linb_ref[...])
        m = jnp.max(logits, axis=0, keepdims=True)
        e = jnp.exp(logits - m)
        out_ref[0:3, 0:1] = e / jnp.sum(e, axis=0, keepdims=True)


def _head(y2, hn, lin_W, lin_b, C):
    n = y2.shape[0]
    nc = n // C
    P = _HID // 2
    linmp = lin_W[:, :n * P].reshape(3, n, P)
    linap = lin_W[:, n * P:2 * n * P].reshape(3, n, P)
    linhn = lin_W[:, 2 * n * P:].reshape(3, 3, _HID)
    body = functools.partial(_head_body, C)
    out = pl.pallas_call(
        body,
        grid=(nc,),
        in_specs=[
            pl.BlockSpec((C, _HID), lambda c: (c, 0)),
            pl.BlockSpec((3, _HID), lambda c: (0, 0)),
            pl.BlockSpec((3, C, P), lambda c: (0, c, 0)),
            pl.BlockSpec((3, C, P), lambda c: (0, c, 0)),
            pl.BlockSpec((3, 3, _HID), lambda c: (0, 0, 0)),
            pl.BlockSpec((3, 1), lambda c: (0, 0)),
        ],
        out_specs=pl.BlockSpec((8, 128), lambda c: (0, 0)),
        out_shape=jax.ShapeDtypeStruct((8, 128), jnp.float32),
        scratch_shapes=[pltpu.VMEM((8, 128), jnp.float32)],
    )(y2, hn, linmp, linap, linhn, lin_b.reshape(3, 1))
    return out[0:3, 0]


def _sc_hist(col):
    mesh = plsc.VectorSubcoreMesh(core_axis_name="c", subcore_axis_name="s")
    CH = 2000

    @functools.partial(
        pl.kernel, mesh=mesh,
        compiler_params=pltpu.CompilerParams(needs_layout_passes=False),
        out_type=jax.ShapeDtypeStruct((_NW, _N), jnp.float32),
        scratch_types=[
            pltpu.VMEM((CH,), jnp.int32),
            pltpu.VMEM((_N,), jnp.float32),
        ],
    )
    def k(col_hbm, out_hbm, colv, hist):
        cid = lax.axis_index("c")
        sid = lax.axis_index("s")
        wid = cid * 16 + sid
        base = wid * _EPW
        zeros = jnp.zeros((16,), jnp.float32)
        ones = jnp.ones((16,), jnp.float32)

        def zloop(i, _):
            hist[pl.ds(i * 16, 16)] = zeros
            return 0
        lax.fori_loop(0, _N // 16, zloop, 0)

        def chunk(cb, _):
            pltpu.sync_copy(col_hbm.at[pl.ds(base + cb * CH, CH)], colv)

            def inner(j, _):
                idx = colv[pl.ds(j * 16, 16)]
                plsc.addupdate_scatter(hist, [idx], ones)
                return 0
            lax.fori_loop(0, CH // 16, inner, 0)
            return 0
        lax.fori_loop(0, _EPW // CH, chunk, 0)
        pltpu.sync_copy(hist, out_hbm.at[wid])

    return k(col)


def _sc_msgs(row, col, dis, xw, ew):
    mesh = plsc.VectorSubcoreMesh(core_axis_name="c", subcore_axis_name="s")
    B = 80
    NB = _EPW // B
    NP = 10240
    SR = NP // 16
    ZR = 128

    @functools.partial(
        pl.kernel, mesh=mesh,
        compiler_params=pltpu.CompilerParams(needs_layout_passes=False),
        out_type=jax.ShapeDtypeStruct((2, NP, _HID), jnp.float32),
        scratch_types=[
            pltpu.VMEM((_N,), jnp.float32),
            pltpu.VMEM((B,), jnp.int32),
            pltpu.VMEM((B,), jnp.int32),
            pltpu.VMEM((B + 16,), jnp.float32),
            pltpu.VMEM((B, _HID), jnp.float32),
            pltpu.VMEM((B, _HID), jnp.float32),
            pltpu.VMEM((ZR, _HID), jnp.float32),
            pltpu.VMEM_SHARED((NP, _HID), jnp.float32),
            pltpu.SemaphoreType.DMA,
        ],
    )
    def k(row_hbm, col_hbm, dis_hbm, xw_hbm, ew_hbm, out_hbm,
          disv, rowi, coli, normv, ewb, xgb, zb, agg, sem):
        cid = lax.axis_index("c")
        sid = lax.axis_index("s")
        wid = cid * 16 + sid
        base = wid * _EPW
        pltpu.sync_copy(dis_hbm, disv)

        zeros = jnp.zeros((16,), jnp.float32)

        def zrow(i, _):
            for kk in range(_HID // 16):
                zb[i, pl.ds(kk * 16, 16)] = zeros
            return 0
        lax.fori_loop(0, ZR, zrow, 0)
        r0 = sid * SR
        for z in range(SR // ZR):
            pltpu.sync_copy(zb, agg.at[pl.ds(r0 + z * ZR, ZR)])
        plsc.subcore_barrier()

        def blk(b, _):
            e0 = base + b * B
            pltpu.sync_copy(row_hbm.at[pl.ds(e0, B)], rowi)
            pltpu.sync_copy(col_hbm.at[pl.ds(e0, B)], coli)
            pltpu.sync_copy(ew_hbm.at[pl.ds(e0, B)], ewb)
            pltpu.async_copy(xw_hbm.at[rowi], xgb, sem).wait()

            def nrm(j, _):
                ri = rowi[pl.ds(j * 16, 16)]
                ci = coli[pl.ds(j * 16, 16)]
                dr = plsc.load_gather(disv, [ri])
                dc = plsc.load_gather(disv, [ci])
                normv[pl.ds(j * 16, 16)] = dr * dc
                return 0
            lax.fori_loop(0, B // 16, nrm, 0)

            def edge(j, _):
                nj = normv[pl.ds(j, 16)][0]
                for kk in range(_HID // 16):
                    xv = xgb[j, pl.ds(kk * 16, 16)]
                    ev = ewb[j, pl.ds(kk * 16, 16)]
                    p = xv * ev
                    e2 = jnp.exp(p + p)
                    t = 1.0 - 2.0 / (e2 + 1.0)
                    xgb[j, pl.ds(kk * 16, 16)] = nj * t
                return 0
            lax.fori_loop(0, B, edge, 0)
            pltpu.sync_copy(xgb, agg.at[coli], add=True)
            return 0
        lax.fori_loop(0, NB, blk, 0)

        plsc.subcore_barrier()
        for z in range(SR // ZR):
            pltpu.sync_copy(agg.at[pl.ds(r0 + z * ZR, ZR)], zb)
            pltpu.sync_copy(zb, out_hbm.at[cid, pl.ds(r0 + z * ZR, ZR)])

    return k(row, col, dis, xw, ew)[:, :_N, :]


def _mm_body(x_ref, w_ref, o_ref):
    o_ref[...] = jnp.dot(x_ref[...], w_ref[...],
                         preferred_element_type=jnp.float32)


def _matmul(x, w, CB):
    n, k = x.shape
    m = w.shape[1]
    return pl.pallas_call(
        _mm_body,
        grid=(n // CB,),
        in_specs=[pl.BlockSpec((CB, k), lambda c: (c, 0)),
                  pl.BlockSpec((k, m), lambda c: (0, 0))],
        out_specs=pl.BlockSpec((CB, m), lambda c: (c, 0)),
        out_shape=jax.ShapeDtypeStruct((n, m), jnp.float32),
    )(x, w)


def _gcnD_body(hist_ref, w2t_ref, dis_ref, rdeg_ref, sfac_ref, sw2_ref):
    ones32 = jnp.ones((_NW, 1), jnp.float32)
    degT = lax.dot_general(hist_ref[...], ones32,
                           (((0,), (0,)), ((), ())),
                           preferred_element_type=jnp.float32) + 1.0
    rdeg = 1.0 / degT
    dis_ref[...] = lax.rsqrt(degT)
    rdeg_ref[...] = rdeg
    sfac_ref[...] = rdeg * rdeg
    sw2_ref[...] = jnp.sum(w2t_ref[...], axis=0, keepdims=True)


def _gcnD(hist, W2T):
    return pl.pallas_call(
        _gcnD_body,
        out_shape=[jax.ShapeDtypeStruct((_N, 1), jnp.float32),
                   jax.ShapeDtypeStruct((_N, 1), jnp.float32),
                   jax.ShapeDtypeStruct((_N, 1), jnp.float32),
                   jax.ShapeDtypeStruct((1, _HID), jnp.float32)],
    )(hist, W2T)


def _gcnB_body(agg0_ref, agg1_ref, xw_ref, rdeg_ref, sfac_ref, sw2_ref,
               bias_ref, g_ref):
    agg = agg0_ref[0] + agg1_ref[0]
    t = jnp.tanh(xw_ref[...] * sw2_ref[...])
    pre = (agg * rdeg_ref[...] + sfac_ref[...] * t + bias_ref[...])
    g_ref[...] = jax.nn.sigmoid(pre)


def _gcnB(aggp, xw, rdeg, sfac, sw2, bias, CB):
    return pl.pallas_call(
        _gcnB_body,
        grid=(_N // CB,),
        in_specs=[
            pl.BlockSpec((1, CB, _HID), lambda c: (0, c, 0)),
            pl.BlockSpec((1, CB, _HID), lambda c: (1, c, 0)),
            pl.BlockSpec((CB, _HID), lambda c: (c, 0)),
            pl.BlockSpec((CB, 1), lambda c: (c, 0)),
            pl.BlockSpec((CB, 1), lambda c: (c, 0)),
            pl.BlockSpec((1, _HID), lambda c: (0, 0)),
            pl.BlockSpec((1, _HID), lambda c: (0, 0)),
        ],
        out_specs=pl.BlockSpec((CB, _HID), lambda c: (c, 0)),
        out_shape=jax.ShapeDtypeStruct((_N, _HID), jnp.float32),
    )(aggp, aggp, xw, rdeg, sfac, sw2, bias.reshape(1, _HID))


def _gcn_sc(x, edge_index, edge_attr, W1, W2, bias):
    row = edge_index[0]
    col = edge_index[1]
    xw = _matmul(x, W1.T, CB=1000)
    ew = _matmul(edge_attr, W2.T, CB=4000)
    hist = _sc_hist(col)
    dis, rdeg, sfac, sw2 = _gcnD(hist, W2.T)
    aggp = _sc_msgs(row, col, dis.reshape(_N), xw, ew)
    return _gcnB(aggp, xw, rdeg, sfac, sw2, bias, CB=1000)


def _gcn_jax(x, edge_index, edge_attr, W1, W2, bias):
    n = x.shape[0]
    row, col = edge_index[0], edge_index[1]
    ones_e = jnp.ones(row.shape[0], dtype=x.dtype)
    deg = jax.ops.segment_sum(ones_e, col, num_segments=n) + 1.0
    dis = deg ** -0.5
    xw = x @ W1.T
    ew = edge_attr @ W2.T
    norm = dis[row] * dis[col]
    msg = norm[:, None] * jnp.tanh(xw[row] * ew)
    agg = jax.ops.segment_sum(msg, col, num_segments=n)
    sw2 = W2.sum(axis=1)
    selfmsg = (dis * dis)[:, None] * jnp.tanh(xw * sw2[None, :])
    out = (agg + selfmsg) / deg[:, None]
    return jax.nn.sigmoid(out + bias)


def kernel(x, edge_index, edge_attr, W1, W2, bias, Wih0, Whh0, Wih1, Whh1,
           Wih2, Whh2, lin_W, lin_b):
    g = _gcn_sc(x, edge_index, edge_attr, W1, W2, bias)
    W0, WA, WB1, WB2 = _splitmats(Wih0, Whh0, Wih1, Whh1, Wih2, Whh2)
    y2, hn = _lstm3s(g, W0, WA, WB1, WB2, C=1000)
    return _head(y2, hn, lin_W, lin_b, C=400)

# --- scband reference (transcript-rebuilt; emitter-appended) ---
"""Pipeline reference for scband-gcn-dense-model-41927470743865 (READ-ONLY COPY).

The authoritative reference and input builder live on the scoring server;
editing this copy changes nothing except your own understanding.
"""

import jax, jax.numpy as jnp
import numpy as np

N = 10000
E = 320000
DIN = 128
DOUT = 128
DE = 16
HID = 128
POOL = HID // 2
LIN_IN = 2 * (N * POOL) + 3 * HID


def setup_inputs(seed: int = 0):
    key = jax.random.key(seed)
    ks = jax.random.split(key, 16)
    x = jax.random.normal(ks[0], (N, DIN), dtype=jnp.float32)
    row = jax.random.randint(ks[1], (E,), 0, N)
    off = jax.random.randint(ks[2], (E,), 1, N)
    col = (row + off) % N  # guarantees no pre-existing self loops
    edge_index = jnp.stack([row, col]).astype(jnp.int32)
    edge_attr = jax.random.normal(ks[3], (E, DE), dtype=jnp.float32)
    s = 1.0 / np.sqrt(HID)
    W1 = jax.random.normal(ks[4], (DOUT, DIN), dtype=jnp.float32) / np.sqrt(DIN)
    W2 = jax.random.normal(ks[5], (DOUT, DE), dtype=jnp.float32) / np.sqrt(DE)
    bias = jnp.zeros((DOUT,), dtype=jnp.float32)
    Wih0 = jax.random.normal(ks[6], (4 * HID, DOUT), dtype=jnp.float32) * s
    Whh0 = jax.random.normal(ks[7], (4 * HID, HID), dtype=jnp.float32) * s
    Wih1 = jax.random.normal(ks[8], (4 * HID, HID), dtype=jnp.float32) * s
    Whh1 = jax.random.normal(ks[9], (4 * HID, HID), dtype=jnp.float32) * s
    Wih2 = jax.random.normal(ks[10], (4 * HID, HID), dtype=jnp.float32) * s
    Whh2 = jax.random.normal(ks[11], (4 * HID, HID), dtype=jnp.float32) * s
    lin_W = jax.random.normal(ks[12], (3, LIN_IN), dtype=jnp.float32) * 1e-3
    lin_b = jnp.zeros((3,), dtype=jnp.float32)
    return {"x": x, "edge_index": edge_index, "edge_attr": edge_attr, "W1": W1, "W2": W2,
            "bias": bias, "Wih0": Wih0, "Whh0": Whh0, "Wih1": Wih1, "Whh1": Whh1,
            "Wih2": Wih2, "Whh2": Whh2, "lin_W": lin_W, "lin_b": lin_b}


def _gcn(x, edge_index, edge_attr, W1, W2, bias):
    n = x.shape[0]
    loop = jnp.arange(n, dtype=edge_index.dtype)
    row = jnp.concatenate([edge_index[0], loop])
    col = jnp.concatenate([edge_index[1], loop])
    ea = jnp.concatenate([edge_attr, jnp.ones((n, edge_attr.shape[1]), dtype=edge_attr.dtype)], axis=0)
    ones_e = jnp.ones(row.shape[0], dtype=x.dtype)
    deg = jax.ops.segment_sum(ones_e, col, num_segments=n)
    dis = jnp.where(deg > 0, deg ** -0.5, 0.0)
    norm = dis[row] * dis[col]
    msg = norm[:, None] * jnp.tanh((x[row] @ W1.T) * (ea @ W2.T))
    agg = jax.ops.segment_sum(msg, col, num_segments=n)
    cnt = jax.ops.segment_sum(ones_e, col, num_segments=n)
    out = agg / jnp.maximum(cnt, 1.0)[:, None]
    return out + bias


def _lstm_layer(xs, Wih, Whh):
    hid = Whh.shape[1]
    gx = xs @ Wih.T
    def step(carry, g):
        h, c = carry
        gates = g + Whh @ h
        i, f, gg, o = jnp.split(gates, 4)
        i = jax.nn.sigmoid(i)
        f = jax.nn.sigmoid(f)
        gg = jnp.tanh(gg)
        o = jax.nn.sigmoid(o)
        c = f * c + i * gg
        h = o * jnp.tanh(c)
        return (h, c), h
    (h, c), ys = jax.lax.scan(step, (jnp.zeros((hid,), xs.dtype), jnp.zeros((hid,), xs.dtype)), gx)
    return ys, h


def _forward(x, edge_index, edge_attr, W1, W2, bias, Wih0, Whh0, Wih1, Whh1, Wih2, Whh2, lin_W, lin_b):
    g = _gcn(x, edge_index, edge_attr, W1, W2, bias)
    g = jax.nn.sigmoid(g)
    y0, h0 = _lstm_layer(g, Wih0, Whh0)
    y1, h1 = _lstm_layer(y0, Wih1, Whh1)
    y2, h2 = _lstm_layer(y1, Wih2, Whh2)
    L, hid = y2.shape
    yr = y2.reshape(L, hid // 2, 2)  # adaptive pool 128 -> 64 => windows of 2
    mp = jnp.max(yr, axis=-1).reshape(-1)
    ap = jnp.mean(yr, axis=-1).reshape(-1)
    hn = jnp.stack([h0, h1, h2]).reshape(-1)
    feat = jnp.concatenate([mp, ap, hn])
    logits = lin_W @ feat + lin_b
    return jax.nn.softmax(logits, axis=0)


def reference(x, edge_index, edge_attr, W1, W2, bias, Wih0, Whh0, Wih1, Whh1, Wih2, Whh2, lin_W, lin_b):
    return _forward(x, edge_index, edge_attr, W1, W2, bias, Wih0, Whh0, Wih1, Whh1, Wih2, Whh2, lin_W, lin_b)

if __name__ == "__main__":
    import jax
    _d = setup_inputs()
    print(jax.jit(kernel)(*tuple(_d.values())))

</pallas_src>

<mosaic_0001>
#map = affine_map<(d0, d1) -> (0)>
#map1 = affine_map<(d0, d1) -> (0, 0)>
#map2 = affine_map<(d0, d1) -> (0, 0, 0)>
module attributes {stable_mosaic.version = 14 : i64} {
  func.func @k(%arg0: i32, %arg1: i32, %arg2: memref<320000xi32, #tpu.memory_space<hbm>>, %arg3: memref<320000xi32, #tpu.memory_space<hbm>>, %arg4: memref<10000xf32, #tpu.memory_space<hbm>>, %arg5: memref<10000x128xf32, #tpu.memory_space<hbm>>, %arg6: memref<320000x128xf32, #tpu.memory_space<hbm>>, %arg7: memref<2x10240x128xf32, #tpu.memory_space<hbm>>, %arg8: memref<10000xf32, #tpu.memory_space<vmem>>, %arg9: memref<80xi32, #tpu.memory_space<vmem>>, %arg10: memref<80xi32, #tpu.memory_space<vmem>>, %arg11: memref<96xf32, #tpu.memory_space<vmem>>, %arg12: memref<80x128xf32, #tpu.memory_space<vmem>>, %arg13: memref<80x128xf32, #tpu.memory_space<vmem>>, %arg14: memref<128x128xf32, #tpu.memory_space<vmem>>, %arg15: memref<10240x128xf32, #tpu.memory_space<vmem_shared>>, %arg16: memref<!tpu.dma_semaphore, #tpu.memory_space<semaphore_mem>>) attributes {dimension_semantics = [#tpu.dimension_semantics<core_parallel>, #tpu.dimension_semantics<subcore_parallel>], iteration_bounds = array<i64: 2, 16>, scalar_prefetch = 0 : i64, scratch_operands = 9 : i64, tpu.core_type = #tpu.core_type<sc_vector_subcore>, window_params = [{transform_indices = #map}, {transform_indices = #map}, {transform_indices = #map}, {transform_indices = #map1}, {transform_indices = #map1}, {transform_indices = #map2}]} {
    %mul3A = arith.constant 16 : i32
    %mul3A_0 = arith.muli %arg0, %mul3A : i32
    %add3A = arith.addi %mul3A_0, %arg1 : i32
    %mul3A_1 = arith.constant 10000 : i32
    %mul3A_2 = arith.muli %add3A, %mul3A_1 : i32
    "tpu.region"() ({
      %run_scoped3A = tpu.sem_alloc : memref<!tpu.dma_semaphore, #tpu.memory_space<semaphore_mem>>
      tpu.enqueue_dma source(%arg4 : memref<10000xf32, #tpu.memory_space<hbm>>) target(%arg8 : memref<10000xf32, #tpu.memory_space<vmem>>) target_semaphore(%run_scoped3A : memref<!tpu.dma_semaphore, #tpu.memory_space<semaphore_mem>>)
      tpu.wait_dma2 semaphore(%run_scoped3A : memref<!tpu.dma_semaphore, #tpu.memory_space<semaphore_mem>>) src(%arg4 : memref<10000xf32, #tpu.memory_space<hbm>>) dst(%arg8 : memref<10000xf32, #tpu.memory_space<vmem>>)
      tpu.yield
    }) : () -> ()
    %broadcast_in_dim3A = arith.constant 0.000000e+00 : f32
    %broadcast_in_dim3A_3 = vector.broadcast %broadcast_in_dim3A : f32 to vector<16xf32>
    %scan3A = arith.constant 0 : i32
    %scan3A_4 = arith.constant 0 : i32
    %scan3A_5 = arith.constant 128 : i32
    %scan3A_6 = arith.addi %scan3A_4, %scan3A_5 : i32
    %scan3A_7 = arith.constant 1 : i32
    %scan3A_8 = scf.for %scan3A_50 = %scan3A_4 to %scan3A_6 step %scan3A_7 iter_args(%scan3A_51 = %scan3A) -> (i32)  : i32 {
      %swap3A = arith.index_cast %scan3A_50 : i32 to index
      %swap3A_52 = arith.constant 0 : index
      %swap3A_53 = tpu.vector_load %arg14[%swap3A, %swap3A_52] {strides = array<i32>} : memref<128x128xf32, #tpu.memory_space<vmem>>, vector<16xf32>,
      tpu.vector_store %arg14[%swap3A, %swap3A_52], %broadcast_in_dim3A_3 {strides = array<i32>} : memref<128x128xf32, #tpu.memory_space<vmem>>, vector<16xf32>,
      %swap3A_54 = arith.index_cast %scan3A_50 : i32 to index
      %swap3A_55 = arith.constant 16 : index
      %swap3A_56 = tpu.vector_load %arg14[%swap3A_54, %swap3A_55] {strides = array<i32>} : memref<128x128xf32, #tpu.memory_space<vmem>>, vector<16xf32>,
      tpu.vector_store %arg14[%swap3A_54, %swap3A_55], %broadcast_in_dim3A_3 {strides = array<i32>} : memref<128x128xf32, #tpu.memory_space<vmem>>, vector<16xf32>,
      %swap3A_57 = arith.index_cast %scan3A_50 : i32 to index
      %swap3A_58 = arith.constant 32 : index
      %swap3A_59 = tpu.vector_load %arg14[%swap3A_57, %swap3A_58] {strides = array<i32>} : memref<128x128xf32, #tpu.memory_space<vmem>>, vector<16xf32>,
      tpu.vector_store %arg14[%swap3A_57, %swap3A_58], %broadcast_in_dim3A_3 {strides = array<i32>} : memref<128x128xf32, #tpu.memory_space<vmem>>, vector<16xf32>,
      %swap3A_60 = arith.index_cast %scan3A_50 : i32 to index
      %swap3A_61 = arith.constant 48 : index
      %swap3A_62 = tpu.vector_load %arg14[%swap3A_60, %swap3A_61] {strides = array<i32>} : memref<128x128xf32, #tpu.memory_space<vmem>>, vector<16xf32>,
      tpu.vector_store %arg14[%swap3A_60, %swap3A_61], %broadcast_in_dim3A_3 {strides = array<i32>} : memref<128x128xf32, #tpu.memory_space<vmem>>, vector<16xf32>,
      %swap3A_63 = arith.index_cast %scan3A_50 : i32 to index
      %swap3A_64 = arith.constant 64 : index
      %swap3A_65 = tpu.vector_load %arg14[%swap3A_63, %swap3A_64] {strides = array<i32>} : memref<128x128xf32, #tpu.memory_space<vmem>>, vector<16xf32>,
      tpu.vector_store %arg14[%swap3A_63, %swap3A_64], %broadcast_in_dim3A_3 {strides = array<i32>} : memref<128x128xf32, #tpu.memory_space<vmem>>, vector<16xf32>,
      %swap3A_66 = arith.index_cast %scan3A_50 : i32 to index
      %swap3A_67 = arith.constant 80 : index
      %swap3A_68 = tpu.vector_load %arg14[%swap3A_66, %swap3A_67] {strides = array<i32>} : memref<128x128xf32, #tpu.memory_space<vmem>>, vector<16xf32>,
      tpu.vector_store %arg14[%swap3A_66, %swap3A_67], %broadcast_in_dim3A_3 {strides = array<i32>} : memref<128x128xf32, #tpu.memory_space<vmem>>, vector<16xf32>,
      %swap3A_69 = arith.index_cast %scan3A_50 : i32 to index
      %swap3A_70 = arith.constant 96 : index
      %swap3A_71 = tpu.vector_load %arg14[%swap3A_69, %swap3A_70] {strides = array<i32>} : memref<128x128xf32, #tpu.memory_space<vmem>>, vector<16xf32>,
      tpu.vector_store %arg14[%swap3A_69, %swap3A_70], %broadcast_in_dim3A_3 {strides = array<i32>} : memref<128x128xf32, #tpu.memory_space<vmem>>, vector<16xf32>,
      %swap3A_72 = arith.index_cast %scan3A_50 : i32 to index
      %swap3A_73 = arith.constant 112 : index
      %swap3A_74 = tpu.vector_load %arg14[%swap3A_72, %swap3A_73] {strides = array<i32>} : memref<128x128xf32, #tpu.memory_space<vmem>>, vector<16xf32>,
      tpu.vector_store %arg14[%swap3A_72, %swap3A_73], %broadcast_in_dim3A_3 {strides = array<i32>} : memref<128x128xf32, #tpu.memory_space<vmem>>, vector<16xf32>,
      %scan3A_75 = arith.constant 0 : i32
      scf.yield %scan3A_75 : i32
    }
    %scan3A_9 = arith.constant 128 : i32
    %mul3A_10 = arith.constant 640 : i32
    %mul3A_11 = arith.muli %arg1, %mul3A_10 : i32
    %add3A_12 = arith.constant 0 : i32
    %add3A_13 = arith.addi %mul3A_11, %add3A_12 : i32
    "tpu.region"() ({
      %run_scoped3A = tpu.sem_alloc : memref<!tpu.dma_semaphore, #tpu.memory_space<semaphore_mem>>
      %dma_start3A = arith.constant 0 : i32
      %dma_start3A_50 = tpu.memref_slice %arg15[%add3A_13, %dma_start3A] : memref<10240x128xf32, #tpu.memory_space<vmem_shared>> -> memref<128x128xf32, #tpu.memory_space<vmem_shared>>
      %dma_start3A_51 = arith.constant 0 : i32
      %dma_start3A_52 = tpu.memref_slice %arg15[%add3A_13, %dma_start3A_51] : memref<10240x128xf32, #tpu.memory_space<vmem_shared>> -> memref<128x128xf32, #tpu.memory_space<vmem_shared>>
      tpu.enqueue_dma source(%arg14 : memref<128x128xf32, #tpu.memory_space<vmem>>) target(%dma_start3A_52 : memref<128x128xf32, #tpu.memory_space<vmem_shared>>) target_semaphore(%run_scoped3A : memref<!tpu.dma_semaphore, #tpu.memory_space<semaphore_mem>>)
      %dma_wait3A = arith.constant 0 : i32
      %dma_wait3A_53 = tpu.memref_slice %arg15[%add3A_13, %dma_wait3A] : memref<10240x128xf32, #tpu.memory_space<vmem_shared>> -> memref<128x128xf32, #tpu.memory_space<vmem_shared>>
      %dma_wait3A_54 = arith.constant 0 : i32
      %dma_wait3A_55 = tpu.memref_slice %arg15[%add3A_13, %dma_wait3A_54] : memref<10240x128xf32, #tpu.memory_space<vmem_shared>> -> memref<128x128xf32, #tpu.memory_space<vmem_shared>>
      tpu.wait_dma2 semaphore(%run_scoped3A : memref<!tpu.dma_semaphore, #tpu.memory_space<semaphore_mem>>) src(%arg14 : memref<128x128xf32, #tpu.memory_space<vmem>>) dst(%dma_wait3A_55 : memref<128x128xf32, #tpu.memory_space<vmem_shared>>)
      tpu.yield
    }) : () -> ()
    %add3A_14 = arith.constant 128 : i32
    %add3A_15 = arith.addi %mul3A_11, %add3A_14 : i32
    "tpu.region"() ({
      %run_scoped3A = tpu.sem_alloc : memref<!tpu.dma_semaphore, #tpu.memory_space<semaphore_mem>>
      %dma_start3A = arith.constant 0 : i32
      %dma_start3A_50 = tpu.memref_slice %arg15[%add3A_15, %dma_start3A] : memref<10240x128xf32, #tpu.memory_space<vmem_shared>> -> memref<128x128xf32, #tpu.memory_space<vmem_shared>>
      %dma_start3A_51 = arith.constant 0 : i32
      %dma_start3A_52 = tpu.memref_slice %arg15[%add3A_15, %dma_start3A_51] : memref<10240x128xf32, #tpu.memory_space<vmem_shared>> -> memref<128x128xf32, #tpu.memory_space<vmem_shared>>
      tpu.enqueue_dma source(%arg14 : memref<128x128xf32, #tpu.memory_space<vmem>>) target(%dma_start3A_52 : memref<128x128xf32, #tpu.memory_space<vmem_shared>>) target_semaphore(%run_scoped3A : memref<!tpu.dma_semaphore, #tpu.memory_space<semaphore_mem>>)
      %dma_wait3A = arith.constant 0 : i32
      %dma_wait3A_53 = tpu.memref_slice %arg15[%add3A_15, %dma_wait3A] : memref<10240x128xf32, #tpu.memory_space<vmem_shared>> -> memref<128x128xf32, #tpu.memory_space<vmem_shared>>
      %dma_wait3A_54 = arith.constant 0 : i32
      %dma_wait3A_55 = tpu.memref_slice %arg15[%add3A_15, %dma_wait3A_54] : memref<10240x128xf32, #tpu.memory_space<vmem_shared>> -> memref<128x128xf32, #tpu.memory_space<vmem_shared>>
      tpu.wait_dma2 semaphore(%run_scoped3A : memref<!tpu.dma_semaphore, #tpu.memory_space<semaphore_mem>>) src(%arg14 : memref<128x128xf32, #tpu.memory_space<vmem>>) dst(%dma_wait3A_55 : memref<128x128xf32, #tpu.memory_space<vmem_shared>>)
      tpu.yield
    }) : () -> ()
    %add3A_16 = arith.constant 256 : i32
    %add3A_17 = arith.addi %mul3A_11, %add3A_16 : i32
    "tpu.region"() ({
      %run_scoped3A = tpu.sem_alloc : memref<!tpu.dma_semaphore, #tpu.memory_space<semaphore_mem>>
      %dma_start3A = arith.constant 0 : i32
      %dma_start3A_50 = tpu.memref_slice %arg15[%add3A_17, %dma_start3A] : memref<10240x128xf32, #tpu.memory_space<vmem_shared>> -> memref<128x128xf32, #tpu.memory_space<vmem_shared>>
      %dma_start3A_51 = arith.constant 0 : i32
      %dma_start3A_52 = tpu.memref_slice %arg15[%add3A_17, %dma_start3A_51] : memref<10240x128xf32, #tpu.memory_space<vmem_shared>> -> memref<128x128xf32, #tpu.memory_space<vmem_shared>>
      tpu.enqueue_dma source(%arg14 : memref<128x128xf32, #tpu.memory_space<vmem>>) target(%dma_start3A_52 : memref<128x128xf32, #tpu.memory_space<vmem_shared>>) target_semaphore(%run_scoped3A : memref<!tpu.dma_semaphore, #tpu.memory_space<semaphore_mem>>)
      %dma_wait3A = arith.constant 0 : i32
      %dma_wait3A_53 = tpu.memref_slice %arg15[%add3A_17, %dma_wait3A] : memref<10240x128xf32, #tpu.memory_space<vmem_shared>> -> memref<128x128xf32, #tpu.memory_space<vmem_shared>>
      %dma_wait3A_54 = arith.constant 0 : i32
      %dma_wait3A_55 = tpu.memref_slice %arg15[%add3A_17, %dma_wait3A_54] : memref<10240x128xf32, #tpu.memory_space<vmem_shared>> -> memref<128x128xf32, #tpu.memory_space<vmem_shared>>
      tpu.wait_dma2 semaphore(%run_scoped3A : memref<!tpu.dma_semaphore, #tpu.memory_space<semaphore_mem>>) src(%arg14 : memref<128x128xf32, #tpu.memory_space<vmem>>) dst(%dma_wait3A_55 : memref<128x128xf32, #tpu.memory_space<vmem_shared>>)
      tpu.yield
    }) : () -> ()
    %add3A_18 = arith.constant 384 : i32
    %add3A_19 = arith.addi %mul3A_11, %add3A_18 : i32
    "tpu.region"() ({
      %run_scoped3A = tpu.sem_alloc : memref<!tpu.dma_semaphore, #tpu.memory_space<semaphore_mem>>
      %dma_start3A = arith.constant 0 : i32
      %dma_start3A_50 = tpu.memref_slice %arg15[%add3A_19, %dma_start3A] : memref<10240x128xf32, #tpu.memory_space<vmem_shared>> -> memref<128x128xf32, #tpu.memory_space<vmem_shared>>
      %dma_start3A_51 = arith.constant 0 : i32
      %dma_start3A_52 = tpu.memref_slice %arg15[%add3A_19, %dma_start3A_51] : memref<10240x128xf32, #tpu.memory_space<vmem_shared>> -> memref<128x128xf32, #tpu.memory_space<vmem_shared>>
      tpu.enqueue_dma source(%arg14 : memref<128x128xf32, #tpu.memory_space<vmem>>) target(%dma_start3A_52 : memref<128x128xf32, #tpu.memory_space<vmem_shared>>) target_semaphore(%run_scoped3A : memref<!tpu.dma_semaphore, #tpu.memory_space<semaphore_mem>>)
      %dma_wait3A = arith.constant 0 : i32
      %dma_wait3A_53 = tpu.memref_slice %arg15[%add3A_19, %dma_wait3A] : memref<10240x128xf32, #tpu.memory_space<vmem_shared>> -> memref<128x128xf32, #tpu.memory_space<vmem_shared>>
      %dma_wait3A_54 = arith.constant 0 : i32
      %dma_wait3A_55 = tpu.memref_slice %arg15[%add3A_19, %dma_wait3A_54] : memref<10240x128xf32, #tpu.memory_space<vmem_shared>> -> memref<128x128xf32, #tpu.memory_space<vmem_shared>>
      tpu.wait_dma2 semaphore(%run_scoped3A : memref<!tpu.dma_semaphore, #tpu.memory_space<semaphore_mem>>) src(%arg14 : memref<128x128xf32, #tpu.memory_space<vmem>>) dst(%dma_wait3A_55 : memref<128x128xf32, #tpu.memory_space<vmem_shared>>)
      tpu.yield
    }) : () -> ()
    %add3A_20 = arith.constant 512 : i32
    %add3A_21 = arith.addi %mul3A_11, %add3A_20 : i32
    "tpu.region"() ({
      %run_scoped3A = tpu.sem_alloc : memref<!tpu.dma_semaphore, #tpu.memory_space<semaphore_mem>>
      %dma_start3A = arith.constant 0 : i32
      %dma_start3A_50 = tpu.memref_slice %arg15[%add3A_21, %dma_start3A] : memref<10240x128xf32, #tpu.memory_space<vmem_shared>> -> memref<128x128xf32, #tpu.memory_space<vmem_shared>>
      %dma_start3A_51 = arith.constant 0 : i32
      %dma_start3A_52 = tpu.memref_slice %arg15[%add3A_21, %dma_start3A_51] : memref<10240x128xf32, #tpu.memory_space<vmem_shared>> -> memref<128x128xf32, #tpu.memory_space<vmem_shared>>
      tpu.enqueue_dma source(%arg14 : memref<128x128xf32, #tpu.memory_space<vmem>>) target(%dma_start3A_52 : memref<128x128xf32, #tpu.memory_space<vmem_shared>>) target_semaphore(%run_scoped3A : memref<!tpu.dma_semaphore, #tpu.memory_space<semaphore_mem>>)
      %dma_wait3A = arith.constant 0 : i32
      %dma_wait3A_53 = tpu.memref_slice %arg15[%add3A_21, %dma_wait3A] : memref<10240x128xf32, #tpu.memory_space<vmem_shared>> -> memref<128x128xf32, #tpu.memory_space<vmem_shared>>
      %dma_wait3A_54 = arith.constant 0 : i32
      %dma_wait3A_55 = tpu.memref_slice %arg15[%add3A_21, %dma_wait3A_54] : memref<10240x128xf32, #tpu.memory_space<vmem_shared>> -> memref<128x128xf32, #tpu.memory_space<vmem_shared>>
      tpu.wait_dma2 semaphore(%run_scoped3A : memref<!tpu.dma_semaphore, #tpu.memory_space<semaphore_mem>>) src(%arg14 : memref<128x128xf32, #tpu.memory_space<vmem>>) dst(%dma_wait3A_55 : memref<128x128xf32, #tpu.memory_space<vmem_shared>>)
      tpu.yield
    }) : () -> ()
    %barrier3A = arith.constant 0 : index
    tpu.barrier barrier_id(%barrier3A)
    %scan3A_22 = arith.constant 0 : i32
    %scan3A_23 = arith.constant 0 : i32
    %scan3A_24 = arith.constant 125 : i32
    %scan3A_25 = arith.addi %scan3A_23, %scan3A_24 : i32
    %scan3A_26 = arith.constant 1 : i32
    %scan3A_27 = scf.for %scan3A_50 = %scan3A_23 to %scan3A_25 step %scan3A_26 iter_args(%scan3A_51 = %scan3A_22) -> (i32)  : i32 {
      %mul3A_52 = arith.constant 80 : i32
      %mul3A_53 = arith.muli %scan3A_50, %mul3A_52 : i32
      %add3A_54 = arith.addi %mul3A_2, %mul3A_53 : i32
      "tpu.region"() ({
        %run_scoped3A = tpu.sem_alloc : memref<!tpu.dma_semaphore, #tpu.memory_space<semaphore_mem>>
        %dma_start3A_74 = tpu.memref_slice %arg2[%add3A_54] : memref<320000xi32, #tpu.memory_space<hbm>> -> memref<80xi32, #tpu.memory_space<hbm>>
        %dma_start3A_75 = tpu.memref_slice %arg2[%add3A_54] : memref<320000xi32, #tpu.memory_space<hbm>> -> memref<80xi32, #tpu.memory_space<hbm>>
        tpu.enqueue_dma source(%dma_start3A_75 : memref<80xi32, #tpu.memory_space<hbm>>) target(%arg9 : memref<80xi32, #tpu.memory_space<vmem>>) target_semaphore(%run_scoped3A : memref<!tpu.dma_semaphore, #tpu.memory_space<semaphore_mem>>)
        %dma_wait3A_76 = tpu.memref_slice %arg2[%add3A_54] : memref<320000xi32, #tpu.memory_space<hbm>> -> memref<80xi32, #tpu.memory_space<hbm>>
        %dma_wait3A_77 = tpu.memref_slice %arg2[%add3A_54] : memref<320000xi32, #tpu.memory_space<hbm>> -> memref<80xi32, #tpu.memory_space<hbm>>
        tpu.wait_dma2 semaphore(%run_scoped3A : memref<!tpu.dma_semaphore, #tpu.memory_space<semaphore_mem>>) src(%dma_wait3A_77 : memref<80xi32, #tpu.memory_space<hbm>>) dst(%arg9 : memref<80xi32, #tpu.memory_space<vmem>>)
        tpu.yield
      }) : () -> ()
      "tpu.region"() ({
        %run_scoped3A = tpu.sem_alloc : memref<!tpu.dma_semaphore, #tpu.memory_space<semaphore_mem>>
        %dma_start3A_74 = tpu.memref_slice %arg3[%add3A_54] : memref<320000xi32, #tpu.memory_space<hbm>> -> memref<80xi32, #tpu.memory_space<hbm>>
        %dma_start3A_75 = tpu.memref_slice %arg3[%add3A_54] : memref<320000xi32, #tpu.memory_space<hbm>> -> memref<80xi32, #tpu.memory_space<hbm>>
        tpu.enqueue_dma source(%dma_start3A_75 : memref<80xi32, #tpu.memory_space<hbm>>) target(%arg10 : memref<80xi32, #tpu.memory_space<vmem>>) target_semaphore(%run_scoped3A : memref<!tpu.dma_semaphore, #tpu.memory_space<semaphore_mem>>)
        %dma_wait3A_76 = tpu.memref_slice %arg3[%add3A_54] : memref<320000xi32, #tpu.memory_space<hbm>> -> memref<80xi32, #tpu.memory_space<hbm>>
        %dma_wait3A_77 = tpu.memref_slice %arg3[%add3A_54] : memref<320000xi32, #tpu.memory_space<hbm>> -> memref<80xi32, #tpu.memory_space<hbm>>
        tpu.wait_dma2 semaphore(%run_scoped3A : memref<!tpu.dma_semaphore, #tpu.memory_space<semaphore_mem>>) src(%dma_wait3A_77 : memref<80xi32, #tpu.memory_space<hbm>>) dst(%arg10 : memref<80xi32, #tpu.memory_space<vmem>>)
        tpu.yield
      }) : () -> ()
      "tpu.region"() ({
        %run_scoped3A = tpu.sem_alloc : memref<!tpu.dma_semaphore, #tpu.memory_space<semaphore_mem>>
        %dma_start3A_74 = arith.constant 0 : i32
        %dma_start3A_75 = tpu.memref_slice %arg6[%add3A_54, %dma_start3A_74] : memref<320000x128xf32, #tpu.memory_space<hbm>> -> memref<80x128xf32, #tpu.memory_space<hbm>>
        %dma_start3A_76 = arith.constant 0 : i32
        %dma_start3A_77 = tpu.memref_slice %arg6[%add3A_54, %dma_start3A_76] : memref<320000x128xf32, #tpu.memory_space<hbm>> -> memref<80x128xf32, #tpu.memory_space<hbm>>
        tpu.enqueue_dma source(%dma_start3A_77 : memref<80x128xf32, #tpu.memory_space<hbm>>) target(%arg12 : memref<80x128xf32, #tpu.memory_space<vmem>>) target_semaphore(%run_scoped3A : memref<!tpu.dma_semaphore, #tpu.memory_space<semaphore_mem>>)
        %dma_wait3A_78 = arith.constant 0 : i32
        %dma_wait3A_79 = tpu.memref_slice %arg6[%add3A_54, %dma_wait3A_78] : memref<320000x128xf32, #tpu.memory_space<hbm>> -> memref<80x128xf32, #tpu.memory_space<hbm>>
        %dma_wait3A_80 = arith.constant 0 : i32
        %dma_wait3A_81 = tpu.memref_slice %arg6[%add3A_54, %dma_wait3A_80] : memref<320000x128xf32, #tpu.memory_space<hbm>> -> memref<80x128xf32, #tpu.memory_space<hbm>>
        tpu.wait_dma2 semaphore(%run_scoped3A : memref<!tpu.dma_semaphore, #tpu.memory_space<semaphore_mem>>) src(%dma_wait3A_81 : memref<80x128xf32, #tpu.memory_space<hbm>>) dst(%arg12 : memref<80x128xf32, #tpu.memory_space<vmem>>)
        tpu.yield
      }) : () -> ()
      %dma_start3A = arith.constant 0 : i32
      %dma_start3A_55 = arith.constant 0 : i32
      %dma_start3A_56 = tpu.memref_slice %arg5[%dma_start3A, %dma_start3A_55] : memref<10000x128xf32, #tpu.memory_space<hbm>> -> memref<10000x128xf32, #tpu.memory_space<hbm>>
      tpu.enqueue_indirect_dma source(%dma_start3A_56 : memref<10000x128xf32, #tpu.memory_space<hbm>>) target(%arg13 : memref<80x128xf32, #tpu.memory_space<vmem>>) offsets(%arg9 : memref<80xi32, #tpu.memory_space<vmem>>) semaphore(%arg16 : memref<!tpu.dma_semaphore, #tpu.memory_space<semaphore_mem>>)
      %dma_wait3A = arith.constant 0 : i32
      %dma_wait3A_57 = arith.constant 0 : i32
      %dma_wait3A_58 = tpu.memref_slice %arg5[%dma_wait3A, %dma_wait3A_57] : memref<10000x128xf32, #tpu.memory_space<hbm>> -> memref<10000x128xf32, #tpu.memory_space<hbm>>
      tpu.wait_indirect_dma semaphore(%arg16 : memref<!tpu.dma_semaphore, #tpu.memory_space<semaphore_mem>>) src(%dma_wait3A_58 : memref<10000x128xf32, #tpu.memory_space<hbm>>) dst(%arg13 : memref<80x128xf32, #tpu.memory_space<vmem>>)
      %scan3A_59 = arith.constant 0 : i32
      %scan3A_60 = arith.constant 0 : i32
      %scan3A_61 = arith.constant 5 : i32
      %scan3A_62 = arith.addi %scan3A_60, %scan3A_61 : i32
      %scan3A_63 = arith.constant 1 : i32
      %scan3A_64 = scf.for %scan3A_74 = %scan3A_60 to %scan3A_62 step %scan3A_63 iter_args(%scan3A_75 = %scan3A_59) -> (i32)  : i32 {
        %mul3A_76 = arith.constant 16 : i32
        %mul3A_77 = arith.muli %scan3A_74, %mul3A_76 : i32
        %get3A = arith.index_cast %mul3A_77 : i32 to index
        %get3A_78 = tpu.vector_load %arg9[%get3A] {strides = array<i32>} : memref<80xi32, #tpu.memory_space<vmem>>, vector<16xi32>,
        %mul3A_79 = arith.constant 16 : i32
        %mul3A_80 = arith.muli %scan3A_74, %mul3A_79 : i32
        %get3A_81 = arith.index_cast %mul3A_80 : i32 to index
        %get3A_82 = tpu.vector_load %arg10[%get3A_81] {strides = array<i32>} : memref<80xi32, #tpu.memory_space<vmem>>, vector<16xi32>,
        %gather3A = tpu.vector_load_idx %arg8[%get3A_78] : memref<10000xf32, #tpu.memory_space<vmem>>[vector<16xi32>], vector<16xf32>,
        %gather3A_83 = tpu.vector_load_idx %arg8[%get3A_82] : memref<10000xf32, #tpu.memory_space<vmem>>[vector<16xi32>], vector<16xf32>,
        %mul3A_84 = arith.mulf %gather3A, %gather3A_83 : vector<16xf32>
        %mul3A_85 = arith.constant 16 : i32
        %mul3A_86 = arith.muli %scan3A_74, %mul3A_85 : i32
        %swap3A = arith.index_cast %mul3A_86 : i32 to index
        %swap3A_87 = tpu.vector_load %arg11[%swap3A] {strides = array<i32>} : memref<96xf32, #tpu.memory_space<vmem>>, vector<16xf32>,
        tpu.vector_store %arg11[%swap3A], %mul3A_84 {strides = array<i32>} : memref<96xf32, #tpu.memory_space<vmem>>, vector<16xf32>,
        %scan3A_88 = arith.constant 0 : i32
        scf.yield %scan3A_88 : i32
      }
      %scan3A_65 = arith.constant 5 : i32
      %scan3A_66 = arith.constant 0 : i32
      %scan3A_67 = arith.constant 0 : i32
      %scan3A_68 = arith.constant 80 : i32
      %scan3A_69 = arith.addi %scan3A_67, %scan3A_68 : i32
      %scan3A_70 = arith.constant 1 : i32
      %scan3A_71 = scf.for %scan3A_74 = %scan3A_67 to %scan3A_69 step %scan3A_70 iter_args(%scan3A_75 = %scan3A_66) -> (i32)  : i32 {
        %get3A = arith.index_cast %scan3A_74 : i32 to index
        %get3A_76 = tpu.vector_load %arg11[%get3A] {strides = array<i32>} : memref<96xf32, #tpu.memory_space<vmem>>, vector<16xf32>,
        %slice3A = vector.extract_strided_slice %get3A_76 {offsets = [0], sizes = [1], strides = [1]} : vector<16xf32> to vector<1xf32>
        %squeeze3A = vector.extract %slice3A[0] : f32 from vector<1xf32>
        %get3A_77 = arith.index_cast %scan3A_74 : i32 to index
        %get3A_78 = arith.constant 0 : index
        %get3A_79 = tpu.vector_load %arg13[%get3A_77, %get3A_78] {strides = array<i32>} : memref<80x128xf32, #tpu.memory_space<vmem>>, vector<16xf32>,
        %get3A_80 = arith.index_cast %scan3A_74 : i32 to index
        %get3A_81 = arith.constant 0 : index
        %get3A_82 = tpu.vector_load %arg12[%get3A_80, %get3A_81] {strides = array<i32>} : memref<80x128xf32, #tpu.memory_space<vmem>>, vector<16xf32>,
        %mul3A_83 = arith.mulf %get3A_79, %get3A_82 : vector<16xf32>
        %add3A_84 = arith.addf %mul3A_83, %mul3A_83 : vector<16xf32>
        %exp3A = math.exp %add3A_84 : vector<16xf32>
        %add3A_85 = arith.constant 1.000000e+00 : f32
        %add3A_86 = vector.broadcast %add3A_85 : f32 to vector<16xf32>
        %add3A_87 = arith.addf %exp3A, %add3A_86 : vector<16xf32>
        %div3A = arith.constant 2.000000e+00 : f32
        %div3A_88 = vector.broadcast %div3A : f32 to vector<16xf32>
        %div3A_89 = arith.divf %div3A_88, %add3A_87 : vector<16xf32>
        %sub3A = arith.constant 1.000000e+00 : f32
        %sub3A_90 = vector.broadcast %sub3A : f32 to vector<16xf32>
        %sub3A_91 = arith.subf %sub3A_90, %div3A_89 : vector<16xf32>
        %mul3A_92 = vector.broadcast %squeeze3A : f32 to vector<16xf32>
        %mul3A_93 = arith.mulf %mul3A_92, %sub3A_91 : vector<16xf32>
        %swap3A = arith.index_cast %scan3A_74 : i32 to index
        %swap3A_94 = arith.constant 0 : index
        %swap3A_95 = tpu.vector_load %arg13[%swap3A, %swap3A_94] {strides = array<i32>} : memref<80x128xf32, #tpu.memory_space<vmem>>, vector<16xf32>,
        tpu.vector_store %arg13[%swap3A, %swap3A_94], %mul3A_93 {strides = array<i32>} : memref<80x128xf32, #tpu.memory_space<vmem>>, vector<16xf32>,
        %get3A_96 = arith.index_cast %scan3A_74 : i32 to index
        %get3A_97 = arith.constant 16 : index
        %get3A_98 = tpu.vector_load %arg13[%get3A_96, %get3A_97] {strides = array<i32>} : memref<80x128xf32, #tpu.memory_space<vmem>>, vector<16xf32>,
        %get3A_99 = arith.index_cast %scan3A_74 : i32 to index
        %get3A_100 = arith.constant 16 : index
        %get3A_101 = tpu.vector_load %arg12[%get3A_99, %get3A_100] {strides = array<i32>} : memref<80x128xf32, #tpu.memory_space<vmem>>, vector<16xf32>,
        %mul3A_102 = arith.mulf %get3A_98, %get3A_101 : vector<16xf32>
        %add3A_103 = arith.addf %mul3A_102, %mul3A_102 : vector<16xf32>
        %exp3A_104 = math.exp %add3A_103 : vector<16xf32>
        %add3A_105 = arith.constant 1.000000e+00 : f32
        %add3A_106 = vector.broadcast %add3A_105 : f32 to vector<16xf32>
        %add3A_107 = arith.addf %exp3A_104, %add3A_106 : vector<16xf32>
        %div3A_108 = arith.constant 2.000000e+00 : f32
        %div3A_109 = vector.broadcast %div3A_108 : f32 to vector<16xf32>
        %div3A_110 = arith.divf %div3A_109, %add3A_107 : vector<16xf32>
        %sub3A_111 = arith.constant 1.000000e+00 : f32
        %sub3A_112 = vector.broadcast %sub3A_111 : f32 to vector<16xf32>
        %sub3A_113 = arith.subf %sub3A_112, %div3A_110 : vector<16xf32>
        %mul3A_114 = vector.broadcast %squeeze3A : f32 to vector<16xf32>
        %mul3A_115 = arith.mulf %mul3A_114, %sub3A_113 : vector<16xf32>
        %swap3A_116 = arith.index_cast %scan3A_74 : i32 to index
        %swap3A_117 = arith.constant 16 : index
        %swap3A_118 = tpu.vector_load %arg13[%swap3A_116, %swap3A_117] {strides = array<i32>} : memref<80x128xf32, #tpu.memory_space<vmem>>, vector<16xf32>,
        tpu.vector_store %arg13[%swap3A_116, %swap3A_117], %mul3A_115 {strides = array<i32>} : memref<80x128xf32, #tpu.memory_space<vmem>>, vector<16xf32>,
        %get3A_119 = arith.index_cast %scan3A_74 : i32 to index
        %get3A_120 = arith.constant 32 : index
        %get3A_121 = tpu.vector_load %arg13[%get3A_119, %get3A_120] {strides = array<i32>} : memref<80x128xf32, #tpu.memory_space<vmem>>, vector<16xf32>,
        %get3A_122 = arith.index_cast %scan3A_74 : i32 to index
        %get3A_123 = arith.constant 32 : index
        %get3A_124 = tpu.vector_load %arg12[%get3A_122, %get3A_123] {strides = array<i32>} : memref<80x128xf32, #tpu.memory_space<vmem>>, vector<16xf32>,
        %mul3A_125 = arith.mulf %get3A_121, %get3A_124 : vector<16xf32>
        %add3A_126 = arith.addf %mul3A_125, %mul3A_125 : vector<16xf32>
        %exp3A_127 = math.exp %add3A_126 : vector<16xf32>
        %add3A_128 = arith.constant 1.000000e+00 : f32
        %add3A_129 = vector.broadcast %add3A_128 : f32 to vector<16xf32>
        %add3A_130 = arith.addf %exp3A_127, %add3A_129 : vector<16xf32>
        %div3A_131 = arith.constant 2.000000e+00 : f32
        %div3A_132 = vector.broadcast %div3A_131 : f32 to vector<16xf32>
        %div3A_133 = arith.divf %div3A_132, %add3A_130 : vector<16xf32>
        %sub3A_134 = arith.constant 1.000000e+00 : f32
        %sub3A_135 = vector.broadcast %sub3A_134 : f32 to vector<16xf32>
        %sub3A_136 = arith.subf %sub3A_135, %div3A_133 : vector<16xf32>
        %mul3A_137 = vector.broadcast %squeeze3A : f32 to vector<16xf32>
        %mul3A_138 = arith.mulf %mul3A_137, %sub3A_136 : vector<16xf32>
        %swap3A_139 = arith.index_cast %scan3A_74 : i32 to index
        %swap3A_140 = arith.constant 32 : index
        %swap3A_141 = tpu.vector_load %arg13[%swap3A_139, %swap3A_140] {strides = array<i32>} : memref<80x128xf32, #tpu.memory_space<vmem>>, vector<16xf32>,
        tpu.vector_store %arg13[%swap3A_139, %swap3A_140], %mul3A_138 {strides = array<i32>} : memref<80x128xf32, #tpu.memory_space<vmem>>, vector<16xf32>,
        %get3A_142 = arith.index_cast %scan3A_74 : i32 to index
        %get3A_143 = arith.constant 48 : index
        %get3A_144 = tpu.vector_load %arg13[%get3A_142, %get3A_143] {strides = array<i32>} : memref<80x128xf32, #tpu.memory_space<vmem>>, vector<16xf32>,
        %get3A_145 = arith.index_cast %scan3A_74 : i32 to index
        %get3A_146 = arith.constant 48 : index
        %get3A_147 = tpu.vector_load %arg12[%get3A_145, %get3A_146] {strides = array<i32>} : memref<80x128xf32, #tpu.memory_space<vmem>>, vector<16xf32>,
        %mul3A_148 = arith.mulf %get3A_144, %get3A_147 : vector<16xf32>
        %add3A_149 = arith.addf %mul3A_148, %mul3A_148 : vector<16xf32>
        %exp3A_150 = math.exp %add3A_149 : vector<16xf32>
        %add3A_151 = arith.constant 1.000000e+00 : f32
        %add3A_152 = vector.broadcast %add3A_151 : f32 to vector<16xf32>
        %add3A_153 = arith.addf %exp3A_150, %add3A_152 : vector<16xf32>
        %div3A_154 = arith.constant 2.000000e+00 : f32
        %div3A_155 = vector.broadcast %div3A_154 : f32 to vector<16xf32>
        %div3A_156 = arith.divf %div3A_155, %add3A_153 : vector<16xf32>
        %sub3A_157 = arith.constant 1.000000e+00 : f32
        %sub3A_158 = vector.broadcast %sub3A_157 : f32 to vector<16xf32>
        %sub3A_159 = arith.subf %sub3A_158, %div3A_156 : vector<16xf32>
        %mul3A_160 = vector.broadcast %squeeze3A : f32 to vector<16xf32>
        %mul3A_161 = arith.mulf %mul3A_160, %sub3A_159 : vector<16xf32>
        %swap3A_162 = arith.index_cast %scan3A_74 : i32 to index
        %swap3A_163 = arith.constant 48 : index
        %swap3A_164 = tpu.vector_load %arg13[%swap3A_162, %swap3A_163] {strides = array<i32>} : memref<80x128xf32, #tpu.memory_space<vmem>>, vector<16xf32>,
        tpu.vector_store %arg13[%swap3A_162, %swap3A_163], %mul3A_161 {strides = array<i32>} : memref<80x128xf32, #tpu.memory_space<vmem>>, vector<16xf32>,
        %get3A_165 = arith.index_cast %scan3A_74 : i32 to index
        %get3A_166 = arith.constant 64 : index
        %get3A_167 = tpu.vector_load %arg13[%get3A_165, %get3A_166] {strides = array<i32>} : memref<80x128xf32, #tpu.memory_space<vmem>>, vector<16xf32>,
        %get3A_168 = arith.index_cast %scan3A_74 : i32 to index
        %get3A_169 = arith.constant 64 : index
        %get3A_170 = tpu.vector_load %arg12[%get3A_168, %get3A_169] {strides = array<i32>} : memref<80x128xf32, #tpu.memory_space<vmem>>, vector<16xf32>,
        %mul3A_171 = arith.mulf %get3A_167, %get3A_170 : vector<16xf32>
        %add3A_172 = arith.addf %mul3A_171, %mul3A_171 : vector<16xf32>
        %exp3A_173 = math.exp %add3A_172 : vector<16xf32>
        %add3A_174 = arith.constant 1.000000e+00 : f32
        %add3A_175 = vector.broadcast %add3A_174 : f32 to vector<16xf32>
        %add3A_176 = arith.addf %exp3A_173, %add3A_175 : vector<16xf32>
        %div3A_177 = arith.constant 2.000000e+00 : f32
        %div3A_178 = vector.broadcast %div3A_177 : f32 to vector<16xf32>
        %div3A_179 = arith.divf %div3A_178, %add3A_176 : vector<16xf32>
        %sub3A_180 = arith.constant 1.000000e+00 : f32
        %sub3A_181 = vector.broadcast %sub3A_180 : f32 to vector<16xf32>
        %sub3A_182 = arith.subf %sub3A_181, %div3A_179 : vector<16xf32>
        %mul3A_183 = vector.broadcast %squeeze3A : f32 to vector<16xf32>
        %mul3A_184 = arith.mulf %mul3A_183, %sub3A_182 : vector<16xf32>
        %swap3A_185 = arith.index_cast %scan3A_74 : i32 to index
        %swap3A_186 = arith.constant 64 : index
        %swap3A_187 = tpu.vector_load %arg13[%swap3A_185, %swap3A_186] {strides = array<i32>} : memref<80x128xf32, #tpu.memory_space<vmem>>, vector<16xf32>,
        tpu.vector_store %arg13[%swap3A_185, %swap3A_186], %mul3A_184 {strides = array<i32>} : memref<80x128xf32, #tpu.memory_space<vmem>>, vector<16xf32>,
        %get3A_188 = arith.index_cast %scan3A_74 : i32 to index
        %get3A_189 = arith.constant 80 : index
        %get3A_190 = tpu.vector_load %arg13[%get3A_188, %get3A_189] {strides = array<i32>} : memref<80x128xf32, #tpu.memory_space<vmem>>, vector<16xf32>,
        %get3A_191 = arith.index_cast %scan3A_74 : i32 to index
        %get3A_192 = arith.constant 80 : index
        %get3A_193 = tpu.vector_load %arg12[%get3A_191, %get3A_192] {strides = array<i32>} : memref<80x128xf32, #tpu.memory_space<vmem>>, vector<16xf32>,
        %mul3A_194 = arith.mulf %get3A_190, %get3A_193 : vector<16xf32>
        %add3A_195 = arith.addf %mul3A_194, %mul3A_194 : vector<16xf32>
        %exp3A_196 = math.exp %add3A_195 : vector<16xf32>
        %add3A_197 = arith.constant 1.000000e+00 : f32
        %add3A_198 = vector.broadcast %add3A_197 : f32 to vector<16xf32>
        %add3A_199 = arith.addf %exp3A_196, %add3A_198 : vector<16xf32>
        %div3A_200 = arith.constant 2.000000e+00 : f32
        %div3A_201 = vector.broadcast %div3A_200 : f32 to vector<16xf32>
        %div3A_202 = arith.divf %div3A_201, %add3A_199 : vector<16xf32>
        %sub3A_203 = arith.constant 1.000000e+00 : f32
        %sub3A_204 = vector.broadcast %sub3A_203 : f32 to vector<16xf32>
        %sub3A_205 = arith.subf %sub3A_204, %div3A_202 : vector<16xf32>
        %mul3A_206 = vector.broadcast %squeeze3A : f32 to vector<16xf32>
        %mul3A_207 = arith.mulf %mul3A_206, %sub3A_205 : vector<16xf32>
        %swap3A_208 = arith.index_cast %scan3A_74 : i32 to index
        %swap3A_209 = arith.constant 80 : index
        %swap3A_210 = tpu.vector_load %arg13[%swap3A_208, %swap3A_209] {strides = array<i32>} : memref<80x128xf32, #tpu.memory_space<vmem>>, vector<16xf32>,
        tpu.vector_store %arg13[%swap3A_208, %swap3A_209], %mul3A_207 {strides = array<i32>} : memref<80x128xf32, #tpu.memory_space<vmem>>, vector<16xf32>,
        %get3A_211 = arith.index_cast %scan3A_74 : i32 to index
        %get3A_212 = arith.constant 96 : index
        %get3A_213 = tpu.vector_load %arg13[%get3A_211, %get3A_212] {strides = array<i32>} : memref<80x128xf32, #tpu.memory_space<vmem>>, vector<16xf32>,
        %get3A_214 = arith.index_cast %scan3A_74 : i32 to index
        %get3A_215 = arith.constant 96 : index
        %get3A_216 = tpu.vector_load %arg12[%get3A_214, %get3A_215] {strides = array<i32>} : memref<80x128xf32, #tpu.memory_space<vmem>>, vector<16xf32>,
        %mul3A_217 = arith.mulf %get3A_213, %get3A_216 : vector<16xf32>
        %add3A_218 = arith.addf %mul3A_217, %mul3A_217 : vector<16xf32>
        %exp3A_219 = math.exp %add3A_218 : vector<16xf32>
        %add3A_220 = arith.constant 1.000000e+00 : f32
        %add3A_221 = vector.broadcast %add3A_220 : f32 to vector<16xf32>
        %add3A_222 = arith.addf %exp3A_219, %add3A_221 : vector<16xf32>
        %div3A_223 = arith.constant 2.000000e+00 : f32
        %div3A_224 = vector.broadcast %div3A_223 : f32 to vector<16xf32>
        %div3A_225 = arith.divf %div3A_224, %add3A_222 : vector<16xf32>
        %sub3A_226 = arith.constant 1.000000e+00 : f32
        %sub3A_227 = vector.broadcast %sub3A_226 : f32 to vector<16xf32>
        %sub3A_228 = arith.subf %sub3A_227, %div3A_225 : vector<16xf32>
        %mul3A_229 = vector.broadcast %squeeze3A : f32 to vector<16xf32>
        %mul3A_230 = arith.mulf %mul3A_229, %sub3A_228 : vector<16xf32>
        %swap3A_231 = arith.index_cast %scan3A_74 : i32 to index
        %swap3A_232 = arith.constant 96 : index
        %swap3A_233 = tpu.vector_load %arg13[%swap3A_231, %swap3A_232] {strides = array<i32>} : memref<80x128xf32, #tpu.memory_space<vmem>>, vector<16xf32>,
        tpu.vector_store %arg13[%swap3A_231, %swap3A_232], %mul3A_230 {strides = array<i32>} : memref<80x128xf32, #tpu.memory_space<vmem>>, vector<16xf32>,
        %get3A_234 = arith.index_cast %scan3A_74 : i32 to index
        %get3A_235 = arith.constant 112 : index
        %get3A_236 = tpu.vector_load %arg13[%get3A_234, %get3A_235] {strides = array<i32>} : memref<80x128xf32, #tpu.memory_space<vmem>>, vector<16xf32>,
        %get3A_237 = arith.index_cast %scan3A_74 : i32 to index
        %get3A_238 = arith.constant 112 : index
        %get3A_239 = tpu.vector_load %arg12[%get3A_237, %get3A_238] {strides = array<i32>} : memref<80x128xf32, #tpu.memory_space<vmem>>, vector<16xf32>,
        %mul3A_240 = arith.mulf %get3A_236, %get3A_239 : vector<16xf32>
        %add3A_241 = arith.addf %mul3A_240, %mul3A_240 : vector<16xf32>
        %exp3A_242 = math.exp %add3A_241 : vector<16xf32>
        %add3A_243 = arith.constant 1.000000e+00 : f32
        %add3A_244 = vector.broadcast %add3A_243 : f32 to vector<16xf32>
        %add3A_245 = arith.addf %exp3A_242, %add3A_244 : vector<16xf32>
        %div3A_246 = arith.constant 2.000000e+00 : f32
        %div3A_247 = vector.broadcast %div3A_246 : f32 to vector<16xf32>
        %div3A_248 = arith.divf %div3A_247, %add3A_245 : vector<16xf32>
        %sub3A_249 = arith.constant 1.000000e+00 : f32
        %sub3A_250 = vector.broadcast %sub3A_249 : f32 to vector<16xf32>
        %sub3A_251 = arith.subf %sub3A_250, %div3A_248 : vector<16xf32>
        %mul3A_252 = vector.broadcast %squeeze3A : f32 to vector<16xf32>
        %mul3A_253 = arith.mulf %mul3A_252, %sub3A_251 : vector<16xf32>
        %swap3A_254 = arith.index_cast %scan3A_74 : i32 to index
        %swap3A_255 = arith.constant 112 : index
        %swap3A_256 = tpu.vector_load %arg13[%swap3A_254, %swap3A_255] {strides = array<i32>} : memref<80x128xf32, #tpu.memory_space<vmem>>, vector<16xf32>,
        tpu.vector_store %arg13[%swap3A_254, %swap3A_255], %mul3A_253 {strides = array<i32>} : memref<80x128xf32, #tpu.memory_space<vmem>>, vector<16xf32>,
        %scan3A_257 = arith.constant 0 : i32
        scf.yield %scan3A_257 : i32
      }
      %scan3A_72 = arith.constant 80 : i32
      "tpu.region"() ({
        %run_scoped3A = tpu.sem_alloc : memref<!tpu.dma_semaphore, #tpu.memory_space<semaphore_mem>>
        %dma_start3A_74 = arith.constant 0 : i32
        %dma_start3A_75 = arith.constant 0 : i32
        %dma_start3A_76 = tpu.memref_slice %arg15[%dma_start3A_74, %dma_start3A_75] : memref<10240x128xf32, #tpu.memory_space<vmem_shared>> -> memref<10240x128xf32, #tpu.memory_space<vmem_shared>>
        tpu.enqueue_indirect_dma source(%arg13 : memref<80x128xf32, #tpu.memory_space<vmem>>) target(%dma_start3A_76 : memref<10240x128xf32, #tpu.memory_space<vmem_shared>>) offsets(%arg10 : memref<80xi32, #tpu.memory_space<vmem>>) semaphore(%run_scoped3A : memref<!tpu.dma_semaphore, #tpu.memory_space<semaphore_mem>>) {add = true}
        %dma_wait3A_77 = arith.constant 0 : i32
        %dma_wait3A_78 = arith.constant 0 : i32
        %dma_wait3A_79 = tpu.memref_slice %arg15[%dma_wait3A_77, %dma_wait3A_78] : memref<10240x128xf32, #tpu.memory_space<vmem_shared>> -> memref<10240x128xf32, #tpu.memory_space<vmem_shared>>
        tpu.wait_indirect_dma semaphore(%run_scoped3A : memref<!tpu.dma_semaphore, #tpu.memory_space<semaphore_mem>>) src(%arg13 : memref<80x128xf32, #tpu.memory_space<vmem>>) dst(%dma_wait3A_79 : memref<10240x128xf32, #tpu.memory_space<vmem_shared>>)
        tpu.yield
      }) : () -> ()
      %scan3A_73 = arith.constant 0 : i32
      scf.yield %scan3A_73 : i32
    }
    %scan3A_28 = arith.constant 125 : i32
    %barrier3A_29 = arith.constant 0 : index
    tpu.barrier barrier_id(%barrier3A_29)
    %add3A_30 = arith.constant 0 : i32
    %add3A_31 = arith.addi %mul3A_11, %add3A_30 : i32
    "tpu.region"() ({
      %run_scoped3A = tpu.sem_alloc : memref<!tpu.dma_semaphore, #tpu.memory_space<semaphore_mem>>
      %dma_start3A = arith.constant 0 : i32
      %dma_start3A_50 = tpu.memref_slice %arg15[%add3A_31, %dma_start3A] : memref<10240x128xf32, #tpu.memory_space<vmem_shared>> -> memref<128x128xf32, #tpu.memory_space<vmem_shared>>
      %dma_start3A_51 = arith.constant 0 : i32
      %dma_start3A_52 = tpu.memref_slice %arg15[%add3A_31, %dma_start3A_51] : memref<10240x128xf32, #tpu.memory_space<vmem_shared>> -> memref<128x128xf32, #tpu.memory_space<vmem_shared>>
      tpu.enqueue_dma source(%dma_start3A_52 : memref<128x128xf32, #tpu.memory_space<vmem_shared>>) target(%arg14 : memref<128x128xf32, #tpu.memory_space<vmem>>) target_semaphore(%run_scoped3A : memref<!tpu.dma_semaphore, #tpu.memory_space<semaphore_mem>>)
      %dma_wait3A = arith.constant 0 : i32
      %dma_wait3A_53 = tpu.memref_slice %arg15[%add3A_31, %dma_wait3A] : memref<10240x128xf32, #tpu.memory_space<vmem_shared>> -> memref<128x128xf32, #tpu.memory_space<vmem_shared>>
      %dma_wait3A_54 = arith.constant 0 : i32
      %dma_wait3A_55 = tpu.memref_slice %arg15[%add3A_31, %dma_wait3A_54] : memref<10240x128xf32, #tpu.memory_space<vmem_shared>> -> memref<128x128xf32, #tpu.memory_space<vmem_shared>>
      tpu.wait_dma2 semaphore(%run_scoped3A : memref<!tpu.dma_semaphore, #tpu.memory_space<semaphore_mem>>) src(%dma_wait3A_55 : memref<128x128xf32, #tpu.memory_space<vmem_shared>>) dst(%arg14 : memref<128x128xf32, #tpu.memory_space<vmem>>)
      tpu.yield
    }) : () -> ()
    %add3A_32 = arith.constant 0 : i32
    %add3A_33 = arith.addi %mul3A_11, %add3A_32 : i32
    "tpu.region"() ({
      %run_scoped3A = tpu.sem_alloc : memref<!tpu.dma_semaphore, #tpu.memory_space<semaphore_mem>>
      %dma_start3A = arith.constant 0 : i32
      %dma_start3A_50 = tpu.memref_slice %arg7[%arg0, %add3A_33, %dma_start3A] : memref<2x10240x128xf32, #tpu.memory_space<hbm>> -> memref<1x128x128xf32, #tpu.memory_space<hbm>>
      %dma_start3A_51 = tpu.memref_squeeze %dma_start3A_50 : memref<1x128x128xf32, #tpu.memory_space<hbm>> -> memref<128x128xf32, #tpu.memory_space<hbm>>
      %dma_start3A_52 = arith.constant 0 : i32
      %dma_start3A_53 = tpu.memref_slice %arg7[%arg0, %add3A_33, %dma_start3A_52] : memref<2x10240x128xf32, #tpu.memory_space<hbm>> -> memref<1x128x128xf32, #tpu.memory_space<hbm>>
      %dma_start3A_54 = tpu.memref_squeeze %dma_start3A_53 : memref<1x128x128xf32, #tpu.memory_space<hbm>> -> memref<128x128xf32, #tpu.memory_space<hbm>>
      tpu.enqueue_dma source(%arg14 : memref<128x128xf32, #tpu.memory_space<vmem>>) target(%dma_start3A_54 : memref<128x128xf32, #tpu.memory_space<hbm>>) target_semaphore(%run_scoped3A : memref<!tpu.dma_semaphore, #tpu.memory_space<semaphore_mem>>)
      %dma_wait3A = arith.constant 0 : i32
      %dma_wait3A_55 = tpu.memref_slice %arg7[%arg0, %add3A_33, %dma_wait3A] : memref<2x10240x128xf32, #tpu.memory_space<hbm>> -> memref<1x128x128xf32, #tpu.memory_space<hbm>>
      %dma_wait3A_56 = tpu.memref_squeeze %dma_wait3A_55 : memref<1x128x128xf32, #tpu.memory_space<hbm>> -> memref<128x128xf32, #tpu.memory_space<hbm>>
      %dma_wait3A_57 = arith.constant 0 : i32
      %dma_wait3A_58 = tpu.memref_slice %arg7[%arg0, %add3A_33, %dma_wait3A_57] : memref<2x10240x128xf32, #tpu.memory_space<hbm>> -> memref<1x128x128xf32, #tpu.memory_space<hbm>>
      %dma_wait3A_59 = tpu.memref_squeeze %dma_wait3A_58 : memref<1x128x128xf32, #tpu.memory_space<hbm>> -> memref<128x128xf32, #tpu.memory_space<hbm>>
      tpu.wait_dma2 semaphore(%run_scoped3A : memref<!tpu.dma_semaphore, #tpu.memory_space<semaphore_mem>>) src(%arg14 : memref<128x128xf32, #tpu.memory_space<vmem>>) dst(%dma_wait3A_59 : memref<128x128xf32, #tpu.memory_space<hbm>>)
      tpu.yield
    }) : () -> ()
    %add3A_34 = arith.constant 128 : i32
    %add3A_35 = arith.addi %mul3A_11, %add3A_34 : i32
    "tpu.region"() ({
      %run_scoped3A = tpu.sem_alloc : memref<!tpu.dma_semaphore, #tpu.memory_space<semaphore_mem>>
      %dma_start3A = arith.constant 0 : i32
      %dma_start3A_50 = tpu.memref_slice %arg15[%add3A_35, %dma_start3A] : memref<10240x128xf32, #tpu.memory_space<vmem_shared>> -> memref<128x128xf32, #tpu.memory_space<vmem_shared>>
      %dma_start3A_51 = arith.constant 0 : i32
      %dma_start3A_52 = tpu.memref_slice %arg15[%add3A_35, %dma_start3A_51] : memref<10240x128xf32, #tpu.memory_space<vmem_shared>> -> memref<128x128xf32, #tpu.memory_space<vmem_shared>>
      tpu.enqueue_dma source(%dma_start3A_52 : memref<128x128xf32, #tpu.memory_space<vmem_shared>>) target(%arg14 : memref<128x128xf32, #tpu.memory_space<vmem>>) target_semaphore(%run_scoped3A : memref<!tpu.dma_semaphore, #tpu.memory_space<semaphore_mem>>)
      %dma_wait3A = arith.constant 0 : i32
      %dma_wait3A_53 = tpu.memref_slice %arg15[%add3A_35, %dma_wait3A] : memref<10240x128xf32, #tpu.memory_space<vmem_shared>> -> memref<128x128xf32, #tpu.memory_space<vmem_shared>>
      %dma_wait3A_54 = arith.constant 0 : i32
      %dma_wait3A_55 = tpu.memref_slice %arg15[%add3A_35, %dma_wait3A_54] : memref<10240x128xf32, #tpu.memory_space<vmem_shared>> -> memref<128x128xf32, #tpu.memory_space<vmem_shared>>
      tpu.wait_dma2 semaphore(%run_scoped3A : memref<!tpu.dma_semaphore, #tpu.memory_space<semaphore_mem>>) src(%dma_wait3A_55 : memref<128x128xf32, #tpu.memory_space<vmem_shared>>) dst(%arg14 : memref<128x128xf32, #tpu.memory_space<vmem>>)
      tpu.yield
    }) : () -> ()
    %add3A_36 = arith.constant 128 : i32
    %add3A_37 = arith.addi %mul3A_11, %add3A_36 : i32
    "tpu.region"() ({
      %run_scoped3A = tpu.sem_alloc : memref<!tpu.dma_semaphore, #tpu.memory_space<semaphore_mem>>
      %dma_start3A = arith.constant 0 : i32
      %dma_start3A_50 = tpu.memref_slice %arg7[%arg0, %add3A_37, %dma_start3A] : memref<2x10240x128xf32, #tpu.memory_space<hbm>> -> memref<1x128x128xf32, #tpu.memory_space<hbm>>
      %dma_start3A_51 = tpu.memref_squeeze %dma_start3A_50 : memref<1x128x128xf32, #tpu.memory_space<hbm>> -> memref<128x128xf32, #tpu.memory_space<hbm>>
      %dma_start3A_52 = arith.constant 0 : i32
      %dma_start3A_53 = tpu.memref_slice %arg7[%arg0, %add3A_37, %dma_start3A_52] : memref<2x10240x128xf32, #tpu.memory_space<hbm>> -> memref<1x128x128xf32, #tpu.memory_space<hbm>>
      %dma_start3A_54 = tpu.memref_squeeze %dma_start3A_53 : memref<1x128x128xf32, #tpu.memory_space<hbm>> -> memref<128x128xf32, #tpu.memory_space<hbm>>
      tpu.enqueue_dma source(%arg14 : memref<128x128xf32, #tpu.memory_space<vmem>>) target(%dma_start3A_54 : memref<128x128xf32, #tpu.memory_space<hbm>>) target_semaphore(%run_scoped3A : memref<!tpu.dma_semaphore, #tpu.memory_space<semaphore_mem>>)
      %dma_wait3A = arith.constant 0 : i32
      %dma_wait3A_55 = tpu.memref_slice %arg7[%arg0, %add3A_37, %dma_wait3A] : memref<2x10240x128xf32, #tpu.memory_space<hbm>> -> memref<1x128x128xf32, #tpu.memory_space<hbm>>
      %dma_wait3A_56 = tpu.memref_squeeze %dma_wait3A_55 : memref<1x128x128xf32, #tpu.memory_space<hbm>> -> memref<128x128xf32, #tpu.memory_space<hbm>>
      %dma_wait3A_57 = arith.constant 0 : i32
      %dma_wait3A_58 = tpu.memref_slice %arg7[%arg0, %add3A_37, %dma_wait3A_57] : memref<2x10240x128xf32, #tpu.memory_space<hbm>> -> memref<1x128x128xf32, #tpu.memory_space<hbm>>
      %dma_wait3A_59 = tpu.memref_squeeze %dma_wait3A_58 : memref<1x128x128xf32, #tpu.memory_space<hbm>> -> memref<128x128xf32, #tpu.memory_space<hbm>>
      tpu.wait_dma2 semaphore(%run_scoped3A : memref<!tpu.dma_semaphore, #tpu.memory_space<semaphore_mem>>) src(%arg14 : memref<128x128xf32, #tpu.memory_space<vmem>>) dst(%dma_wait3A_59 : memref<128x128xf32, #tpu.memory_space<hbm>>)
      tpu.yield
    }) : () -> ()
    %add3A_38 = arith.constant 256 : i32
    %add3A_39 = arith.addi %mul3A_11, %add3A_38 : i32
    "tpu.region"() ({
      %run_scoped3A = tpu.sem_alloc : memref<!tpu.dma_semaphore, #tpu.memory_space<semaphore_mem>>
      %dma_start3A = arith.constant 0 : i32
      %dma_start3A_50 = tpu.memref_slice %arg15[%add3A_39, %dma_start3A] : memref<10240x128xf32, #tpu.memory_space<vmem_shared>> -> memref<128x128xf32, #tpu.memory_space<vmem_shared>>
      %dma_start3A_51 = arith.constant 0 : i32
      %dma_start3A_52 = tpu.memref_slice %arg15[%add3A_39, %dma_start3A_51] : memref<10240x128xf32, #tpu.memory_space<vmem_shared>> -> memref<128x128xf32, #tpu.memory_space<vmem_shared>>
      tpu.enqueue_dma source(%dma_start3A_52 : memref<128x128xf32, #tpu.memory_space<vmem_shared>>) target(%arg14 : memref<128x128xf32, #tpu.memory_space<vmem>>) target_semaphore(%run_scoped3A : memref<!tpu.dma_semaphore, #tpu.memory_space<semaphore_mem>>)
      %dma_wait3A = arith.constant 0 : i32
      %dma_wait3A_53 = tpu.memref_slice %arg15[%add3A_39, %dma_wait3A] : memref<10240x128xf32, #tpu.memory_space<vmem_shared>> -> memref<128x128xf32, #tpu.memory_space<vmem_shared>>
      %dma_wait3A_54 = arith.constant 0 : i32
      %dma_wait3A_55 = tpu.memref_slice %arg15[%add3A_39, %dma_wait3A_54] : memref<10240x128xf32, #tpu.memory_space<vmem_shared>> -> memref<128x128xf32, #tpu.memory_space<vmem_shared>>
      tpu.wait_dma2 semaphore(%run_scoped3A : memref<!tpu.dma_semaphore, #tpu.memory_space<semaphore_mem>>) src(%dma_wait3A_55 : memref<128x128xf32, #tpu.memory_space<vmem_shared>>) dst(%arg14 : memref<128x128xf32, #tpu.memory_space<vmem>>)
      tpu.yield
    }) : () -> ()
    %add3A_40 = arith.constant 256 : i32
    %add3A_41 = arith.addi %mul3A_11, %add3A_40 : i32
    "tpu.region"() ({
      %run_scoped3A = tpu.sem_alloc : memref<!tpu.dma_semaphore, #tpu.memory_space<semaphore_mem>>
      %dma_start3A = arith.constant 0 : i32
      %dma_start3A_50 = tpu.memref_slice %arg7[%arg0, %add3A_41, %dma_start3A] : memref<2x10240x128xf32, #tpu.memory_space<hbm>> -> memref<1x128x128xf32, #tpu.memory_space<hbm>>
      %dma_start3A_51 = tpu.memref_squeeze %dma_start3A_50 : memref<1x128x128xf32, #tpu.memory_space<hbm>> -> memref<128x128xf32, #tpu.memory_space<hbm>>
      %dma_start3A_52 = arith.constant 0 : i32
      %dma_start3A_53 = tpu.memref_slice %arg7[%arg0, %add3A_41, %dma_start3A_52] : memref<2x10240x128xf32, #tpu.memory_space<hbm>> -> memref<1x128x128xf32, #tpu.memory_space<hbm>>
      %dma_start3A_54 = tpu.memref_squeeze %dma_start3A_53 : memref<1x128x128xf32, #tpu.memory_space<hbm>> -> memref<128x128xf32, #tpu.memory_space<hbm>>
      tpu.enqueue_dma source(%arg14 : memref<128x128xf32, #tpu.memory_space<vmem>>) target(%dma_start3A_54 : memref<128x128xf32, #tpu.memory_space<hbm>>) target_semaphore(%run_scoped3A : memref<!tpu.dma_semaphore, #tpu.memory_space<semaphore_mem>>)
      %dma_wait3A = arith.constant 0 : i32
      %dma_wait3A_55 = tpu.memref_slice %arg7[%arg0, %add3A_41, %dma_wait3A] : memref<2x10240x128xf32, #tpu.memory_space<hbm>> -> memref<1x128x128xf32, #tpu.memory_space<hbm>>
      %dma_wait3A_56 = tpu.memref_squeeze %dma_wait3A_55 : memref<1x128x128xf32, #tpu.memory_space<hbm>> -> memref<128x128xf32, #tpu.memory_space<hbm>>
      %dma_wait3A_57 = arith.constant 0 : i32
      %dma_wait3A_58 = tpu.memref_slice %arg7[%arg0, %add3A_41, %dma_wait3A_57] : memref<2x10240x128xf32, #tpu.memory_space<hbm>> -> memref<1x128x128xf32, #tpu.memory_space<hbm>>
      %dma_wait3A_59 = tpu.memref_squeeze %dma_wait3A_58 : memref<1x128x128xf32, #tpu.memory_space<hbm>> -> memref<128x128xf32, #tpu.memory_space<hbm>>
      tpu.wait_dma2 semaphore(%run_scoped3A : memref<!tpu.dma_semaphore, #tpu.memory_space<semaphore_mem>>) src(%arg14 : memref<128x128xf32, #tpu.memory_space<vmem>>) dst(%dma_wait3A_59 : memref<128x128xf32, #tpu.memory_space<hbm>>)
      tpu.yield
    }) : () -> ()
    %add3A_42 = arith.constant 384 : i32
    %add3A_43 = arith.addi %mul3A_11, %add3A_42 : i32
    "tpu.region"() ({
      %run_scoped3A = tpu.sem_alloc : memref<!tpu.dma_semaphore, #tpu.memory_space<semaphore_mem>>
      %dma_start3A = arith.constant 0 : i32
      %dma_start3A_50 = tpu.memref_slice %arg15[%add3A_43, %dma_start3A] : memref<10240x128xf32, #tpu.memory_space<vmem_shared>> -> memref<128x128xf32, #tpu.memory_space<vmem_shared>>
      %dma_start3A_51 = arith.constant 0 : i32
      %dma_start3A_52 = tpu.memref_slice %arg15[%add3A_43, %dma_start3A_51] : memref<10240x128xf32, #tpu.memory_space<vmem_shared>> -> memref<128x128xf32, #tpu.memory_space<vmem_shared>>
      tpu.enqueue_dma source(%dma_start3A_52 : memref<128x128xf32, #tpu.memory_space<vmem_shared>>) target(%arg14 : memref<128x128xf32, #tpu.memory_space<vmem>>) target_semaphore(%run_scoped3A : memref<!tpu.dma_semaphore, #tpu.memory_space<semaphore_mem>>)
      %dma_wait3A = arith.constant 0 : i32
      %dma_wait3A_53 = tpu.memref_slice %arg15[%add3A_43, %dma_wait3A] : memref<10240x128xf32, #tpu.memory_space<vmem_shared>> -> memref<128x128xf32, #tpu.memory_space<vmem_shared>>
      %dma_wait3A_54 = arith.constant 0 : i32
      %dma_wait3A_55 = tpu.memref_slice %arg15[%add3A_43, %dma_wait3A_54] : memref<10240x128xf32, #tpu.memory_space<vmem_shared>> -> memref<128x128xf32, #tpu.memory_space<vmem_shared>>
      tpu.wait_dma2 semaphore(%run_scoped3A : memref<!tpu.dma_semaphore, #tpu.memory_space<semaphore_mem>>) src(%dma_wait3A_55 : memref<128x128xf32, #tpu.memory_space<vmem_shared>>) dst(%arg14 : memref<128x128xf32, #tpu.memory_space<vmem>>)
      tpu.yield
    }) : () -> ()
    %add3A_44 = arith.constant 384 : i32
    %add3A_45 = arith.addi %mul3A_11, %add3A_44 : i32
    "tpu.region"() ({
      %run_scoped3A = tpu.sem_alloc : memref<!tpu.dma_semaphore, #tpu.memory_space<semaphore_mem>>
      %dma_start3A = arith.constant 0 : i32
      %dma_start3A_50 = tpu.memref_slice %arg7[%arg0, %add3A_45, %dma_start3A] : memref<2x10240x128xf32, #tpu.memory_space<hbm>> -> memref<1x128x128xf32, #tpu.memory_space<hbm>>
      %dma_start3A_51 = tpu.memref_squeeze %dma_start3A_50 : memref<1x128x128xf32, #tpu.memory_space<hbm>> -> memref<128x128xf32, #tpu.memory_space<hbm>>
      %dma_start3A_52 = arith.constant 0 : i32
      %dma_start3A_53 = tpu.memref_slice %arg7[%arg0, %add3A_45, %dma_start3A_52] : memref<2x10240x128xf32, #tpu.memory_space<hbm>> -> memref<1x128x128xf32, #tpu.memory_space<hbm>>
      %dma_start3A_54 = tpu.memref_squeeze %dma_start3A_53 : memref<1x128x128xf32, #tpu.memory_space<hbm>> -> memref<128x128xf32, #tpu.memory_space<hbm>>
      tpu.enqueue_dma source(%arg14 : memref<128x128xf32, #tpu.memory_space<vmem>>) target(%dma_start3A_54 : memref<128x128xf32, #tpu.memory_space<hbm>>) target_semaphore(%run_scoped3A : memref<!tpu.dma_semaphore, #tpu.memory_space<semaphore_mem>>)
      %dma_wait3A = arith.constant 0 : i32
      %dma_wait3A_55 = tpu.memref_slice %arg7[%arg0, %add3A_45, %dma_wait3A] : memref<2x10240x128xf32, #tpu.memory_space<hbm>> -> memref<1x128x128xf32, #tpu.memory_space<hbm>>
      %dma_wait3A_56 = tpu.memref_squeeze %dma_wait3A_55 : memref<1x128x128xf32, #tpu.memory_space<hbm>> -> memref<128x128xf32, #tpu.memory_space<hbm>>
      %dma_wait3A_57 = arith.constant 0 : i32
      %dma_wait3A_58 = tpu.memref_slice %arg7[%arg0, %add3A_45, %dma_wait3A_57] : memref<2x10240x128xf32, #tpu.memory_space<hbm>> -> memref<1x128x128xf32, #tpu.memory_space<hbm>>
      %dma_wait3A_59 = tpu.memref_squeeze %dma_wait3A_58 : memref<1x128x128xf32, #tpu.memory_space<hbm>> -> memref<128x128xf32, #tpu.memory_space<hbm>>
      tpu.wait_dma2 semaphore(%run_scoped3A : memref<!tpu.dma_semaphore, #tpu.memory_space<semaphore_mem>>) src(%arg14 : memref<128x128xf32, #tpu.memory_space<vmem>>) dst(%dma_wait3A_59 : memref<128x128xf32, #tpu.memory_space<hbm>>)
      tpu.yield
    }) : () -> ()
    %add3A_46 = arith.constant 512 : i32
    %add3A_47 = arith.addi %mul3A_11, %add3A_46 : i32
    "tpu.region"() ({
      %run_scoped3A = tpu.sem_alloc : memref<!tpu.dma_semaphore, #tpu.memory_space<semaphore_mem>>
      %dma_start3A = arith.constant 0 : i32
      %dma_start3A_50 = tpu.memref_slice %arg15[%add3A_47, %dma_start3A] : memref<10240x128xf32, #tpu.memory_space<vmem_shared>> -> memref<128x128xf32, #tpu.memory_space<vmem_shared>>
      %dma_start3A_51 = arith.constant 0 : i32
      %dma_start3A_52 = tpu.memref_slice %arg15[%add3A_47, %dma_start3A_51] : memref<10240x128xf32, #tpu.memory_space<vmem_shared>> -> memref<128x128xf32, #tpu.memory_space<vmem_shared>>
      tpu.enqueue_dma source(%dma_start3A_52 : memref<128x128xf32, #tpu.memory_space<vmem_shared>>) target(%arg14 : memref<128x128xf32, #tpu.memory_space<vmem>>) target_semaphore(%run_scoped3A : memref<!tpu.dma_semaphore, #tpu.memory_space<semaphore_mem>>)
      %dma_wait3A = arith.constant 0 : i32
      %dma_wait3A_53 = tpu.memref_slice %arg15[%add3A_47, %dma_wait3A] : memref<10240x128xf32, #tpu.memory_space<vmem_shared>> -> memref<128x128xf32, #tpu.memory_space<vmem_shared>>
      %dma_wait3A_54 = arith.constant 0 : i32
      %dma_wait3A_55 = tpu.memref_slice %arg15[%add3A_47, %dma_wait3A_54] : memref<10240x128xf32, #tpu.memory_space<vmem_shared>> -> memref<128x128xf32, #tpu.memory_space<vmem_shared>>
      tpu.wait_dma2 semaphore(%run_scoped3A : memref<!tpu.dma_semaphore, #tpu.memory_space<semaphore_mem>>) src(%dma_wait3A_55 : memref<128x128xf32, #tpu.memory_space<vmem_shared>>) dst(%arg14 : memref<128x128xf32, #tpu.memory_space<vmem>>)
      tpu.yield
    }) : () -> ()
    %add3A_48 = arith.constant 512 : i32
    %add3A_49 = arith.addi %mul3A_11, %add3A_48 : i32
    "tpu.region"() ({
      %run_scoped3A = tpu.sem_alloc : memref<!tpu.dma_semaphore, #tpu.memory_space<semaphore_mem>>
      %dma_start3A = arith.constant 0 : i32
      %dma_start3A_50 = tpu.memref_slice %arg7[%arg0, %add3A_49, %dma_start3A] : memref<2x10240x128xf32, #tpu.memory_space<hbm>> -> memref<1x128x128xf32, #tpu.memory_space<hbm>>
      %dma_start3A_51 = tpu.memref_squeeze %dma_start3A_50 : memref<1x128x128xf32, #tpu.memory_space<hbm>> -> memref<128x128xf32, #tpu.memory_space<hbm>>
      %dma_start3A_52 = arith.constant 0 : i32
      %dma_start3A_53 = tpu.memref_slice %arg7[%arg0, %add3A_49, %dma_start3A_52] : memref<2x10240x128xf32, #tpu.memory_space<hbm>> -> memref<1x128x128xf32, #tpu.memory_space<hbm>>
      %dma_start3A_54 = tpu.memref_squeeze %dma_start3A_53 : memref<1x128x128xf32, #tpu.memory_space<hbm>> -> memref<128x128xf32, #tpu.memory_space<hbm>>
      tpu.enqueue_dma source(%arg14 : memref<128x128xf32, #tpu.memory_space<vmem>>) target(%dma_start3A_54 : memref<128x128xf32, #tpu.memory_space<hbm>>) target_semaphore(%run_scoped3A : memref<!tpu.dma_semaphore, #tpu.memory_space<semaphore_mem>>)
      %dma_wait3A = arith.constant 0 : i32
      %dma_wait3A_55 = tpu.memref_slice %arg7[%arg0, %add3A_49, %dma_wait3A] : memref<2x10240x128xf32, #tpu.memory_space<hbm>> -> memref<1x128x128xf32, #tpu.memory_space<hbm>>
      %dma_wait3A_56 = tpu.memref_squeeze %dma_wait3A_55 : memref<1x128x128xf32, #tpu.memory_space<hbm>> -> memref<128x128xf32, #tpu.memory_space<hbm>>
      %dma_wait3A_57 = arith.constant 0 : i32
      %dma_wait3A_58 = tpu.memref_slice %arg7[%arg0, %add3A_49, %dma_wait3A_57] : memref<2x10240x128xf32, #tpu.memory_space<hbm>> -> memref<1x128x128xf32, #tpu.memory_space<hbm>>
      %dma_wait3A_59 = tpu.memref_squeeze %dma_wait3A_58 : memref<1x128x128xf32, #tpu.memory_space<hbm>> -> memref<128x128xf32, #tpu.memory_space<hbm>>
      tpu.wait_dma2 semaphore(%run_scoped3A : memref<!tpu.dma_semaphore, #tpu.memory_space<semaphore_mem>>) src(%arg14 : memref<128x128xf32, #tpu.memory_space<vmem>>) dst(%dma_wait3A_59 : memref<128x128xf32, #tpu.memory_space<hbm>>)
      tpu.yield
    }) : () -> ()
    return
  }
}

#map = affine_map<(d0, d1) -> (0)>
#map1 = affine_map<(d0, d1) -> (0, 0)>
module attributes {stable_mosaic.version = 14 : i64} {
  func.func @k(%arg0: i32, %arg1: i32, %arg2: memref<320000xi32, #tpu.memory_space<hbm>>, %arg3: memref<32x10000xf32, #tpu.memory_space<hbm>>, %arg4: memref<2000xi32, #tpu.memory_space<vmem>>, %arg5: memref<10000xf32, #tpu.memory_space<vmem>>) attributes {dimension_semantics = [#tpu.dimension_semantics<core_parallel>, #tpu.dimension_semantics<subcore_parallel>], iteration_bounds = array<i64: 2, 16>, scalar_prefetch = 0 : i64, scratch_operands = 2 : i64, tpu.core_type = #tpu.core_type<sc_vector_subcore>, window_params = [{transform_indices = #map}, {transform_indices = #map1}]} {
    %mul3A = arith.constant 16 : i32
    %mul3A_0 = arith.muli %arg0, %mul3A : i32
    %add3A = arith.addi %mul3A_0, %arg1 : i32
    %mul3A_1 = arith.constant 10000 : i32
    %mul3A_2 = arith.muli %add3A, %mul3A_1 : i32
    %broadcast_in_dim3A = arith.constant 0.000000e+00 : f32
    %broadcast_in_dim3A_3 = vector.broadcast %broadcast_in_dim3A : f32 to vector<16xf32>
    %broadcast_in_dim3A_4 = arith.constant 1.000000e+00 : f32
    %broadcast_in_dim3A_5 = vector.broadcast %broadcast_in_dim3A_4 : f32 to vector<16xf32>
    %scan3A = arith.constant 0 : i32
    %scan3A_6 = arith.constant 0 : i32
    %scan3A_7 = arith.constant 625 : i32
    %scan3A_8 = arith.addi %scan3A_6, %scan3A_7 : i32
    %scan3A_9 = arith.constant 1 : i32
    %scan3A_10 = scf.for %scan3A_19 = %scan3A_6 to %scan3A_8 step %scan3A_9 iter_args(%scan3A_20 = %scan3A) -> (i32)  : i32 {
      %mul3A_21 = arith.constant 16 : i32
      %mul3A_22 = arith.muli %scan3A_19, %mul3A_21 : i32
      %swap3A = arith.index_cast %mul3A_22 : i32 to index
      %swap3A_23 = tpu.vector_load %arg5[%swap3A] {strides = array<i32>} : memref<10000xf32, #tpu.memory_space<vmem>>, vector<16xf32>,
      tpu.vector_store %arg5[%swap3A], %broadcast_in_dim3A_3 {strides = array<i32>} : memref<10000xf32, #tpu.memory_space<vmem>>, vector<16xf32>,
      %scan3A_24 = arith.constant 0 : i32
      scf.yield %scan3A_24 : i32
    }
    %scan3A_11 = arith.constant 625 : i32
    %scan3A_12 = arith.constant 0 : i32
    %scan3A_13 = arith.constant 0 : i32
    %scan3A_14 = arith.constant 5 : i32
    %scan3A_15 = arith.addi %scan3A_13, %scan3A_14 : i32
    %scan3A_16 = arith.constant 1 : i32
    %scan3A_17 = scf.for %scan3A_19 = %scan3A_13 to %scan3A_15 step %scan3A_16 iter_args(%scan3A_20 = %scan3A_12) -> (i32)  : i32 {
      %mul3A_21 = arith.constant 2000 : i32
      %mul3A_22 = arith.muli %scan3A_19, %mul3A_21 : i32
      %add3A_23 = arith.addi %mul3A_2, %mul3A_22 : i32
      "tpu.region"() ({
        %run_scoped3A = tpu.sem_alloc : memref<!tpu.dma_semaphore, #tpu.memory_space<semaphore_mem>>
        %dma_start3A = tpu.memref_slice %arg2[%add3A_23] : memref<320000xi32, #tpu.memory_space<hbm>> -> memref<2000xi32, #tpu.memory_space<hbm>>
        %dma_start3A_32 = tpu.memref_slice %arg2[%add3A_23] : memref<320000xi32, #tpu.memory_space<hbm>> -> memref<2000xi32, #tpu.memory_space<hbm>>
        tpu.enqueue_dma source(%dma_start3A_32 : memref<2000xi32, #tpu.memory_space<hbm>>) target(%arg4 : memref<2000xi32, #tpu.memory_space<vmem>>) target_semaphore(%run_scoped3A : memref<!tpu.dma_semaphore, #tpu.memory_space<semaphore_mem>>)
        %dma_wait3A = tpu.memref_slice %arg2[%add3A_23] : memref<320000xi32, #tpu.memory_space<hbm>> -> memref<2000xi32, #tpu.memory_space<hbm>>
        %dma_wait3A_33 = tpu.memref_slice %arg2[%add3A_23] : memref<320000xi32, #tpu.memory_space<hbm>> -> memref<2000xi32, #tpu.memory_space<hbm>>
        tpu.wait_dma2 semaphore(%run_scoped3A : memref<!tpu.dma_semaphore, #tpu.memory_space<semaphore_mem>>) src(%dma_wait3A_33 : memref<2000xi32, #tpu.memory_space<hbm>>) dst(%arg4 : memref<2000xi32, #tpu.memory_space<vmem>>)
        tpu.yield
      }) : () -> ()
      %scan3A_24 = arith.constant 0 : i32
      %scan3A_25 = arith.constant 0 : i32
      %scan3A_26 = arith.constant 125 : i32
      %scan3A_27 = arith.addi %scan3A_25, %scan3A_26 : i32
      %scan3A_28 = arith.constant 1 : i32
      %scan3A_29 = scf.for %scan3A_32 = %scan3A_25 to %scan3A_27 step %scan3A_28 iter_args(%scan3A_33 = %scan3A_24) -> (i32)  : i32 {
        %mul3A_34 = arith.constant 16 : i32
        %mul3A_35 = arith.muli %scan3A_32, %mul3A_34 : i32
        %get3A = arith.index_cast %mul3A_35 : i32 to index
        %get3A_36 = tpu.vector_load %arg4[%get3A] {strides = array<i32>} : memref<2000xi32, #tpu.memory_space<vmem>>, vector<16xi32>,
        tpu.vector_store_idx %arg5[%get3A_36], %broadcast_in_dim3A_5 {add = true} : memref<10000xf32, #tpu.memory_space<vmem>>[vector<16xi32>], vector<16xf32>,
        %scan3A_37 = arith.constant 0 : i32
        scf.yield %scan3A_37 : i32
      }
      %scan3A_30 = arith.constant 125 : i32
      %scan3A_31 = arith.constant 0 : i32
      scf.yield %scan3A_31 : i32
    }
    %scan3A_18 = arith.constant 5 : i32
    "tpu.region"() ({
      %run_scoped3A = tpu.sem_alloc : memref<!tpu.dma_semaphore, #tpu.memory_space<semaphore_mem>>
      %dma_start3A = arith.constant 0 : i32
      %dma_start3A_19 = tpu.memref_slice %arg3[%add3A, %dma_start3A] : memref<32x10000xf32, #tpu.memory_space<hbm>> -> memref<1x10000xf32, #tpu.memory_space<hbm>>
      %dma_start3A_20 = tpu.memref_squeeze %dma_start3A_19 : memref<1x10000xf32, #tpu.memory_space<hbm>> -> memref<10000xf32, #tpu.memory_space<hbm>>
      %dma_start3A_21 = arith.constant 0 : i32
      %dma_start3A_22 = tpu.memref_slice %arg3[%add3A, %dma_start3A_21] : memref<32x10000xf32, #tpu.memory_space<hbm>> -> memref<1x10000xf32, #tpu.memory_space<hbm>>
      %dma_start3A_23 = tpu.memref_squeeze %dma_start3A_22 : memref<1x10000xf32, #tpu.memory_space<hbm>> -> memref<10000xf32, #tpu.memory_space<hbm>>
      tpu.enqueue_dma source(%arg5 : memref<10000xf32, #tpu.memory_space<vmem>>) target(%dma_start3A_23 : memref<10000xf32, #tpu.memory_space<hbm>>) target_semaphore(%run_scoped3A : memref<!tpu.dma_semaphore, #tpu.memory_space<semaphore_mem>>)
      %dma_wait3A = arith.constant 0 : i32
      %dma_wait3A_24 = tpu.memref_slice %arg3[%add3A, %dma_wait3A] : memref<32x10000xf32, #tpu.memory_space<hbm>> -> memref<1x10000xf32, #tpu.memory_space<hbm>>
      %dma_wait3A_25 = tpu.memref_squeeze %dma_wait3A_24 : memref<1x10000xf32, #tpu.memory_space<hbm>> -> memref<10000xf32, #tpu.memory_space<hbm>>
      %dma_wait3A_26 = arith.constant 0 : i32
      %dma_wait3A_27 = tpu.memref_slice %arg3[%add3A, %dma_wait3A_26] : memref<32x10000xf32, #tpu.memory_space<hbm>> -> memref<1x10000xf32, #tpu.memory_space<hbm>>
      %dma_wait3A_28 = tpu.memref_squeeze %dma_wait3A_27 : memref<1x10000xf32, #tpu.memory_space<hbm>> -> memref<10000xf32, #tpu.memory_space<hbm>>
      tpu.wait_dma2 semaphore(%run_scoped3A : memref<!tpu.dma_semaphore, #tpu.memory_space<semaphore_mem>>) src(%arg5 : memref<10000xf32, #tpu.memory_space<vmem>>) dst(%dma_wait3A_28 : memref<10000xf32, #tpu.memory_space<hbm>>)
      tpu.yield
    }) : () -> ()
    return
  }
}

module attributes {stable_mosaic.version = 14 : i64} {
  func.func @_mm_body(%arg0: i32, %arg1: memref<4000x16xf32, #tpu.memory_space<vmem>>, %arg2: memref<16x128xf32, #tpu.memory_space<vmem>>, %arg3: memref<4000x128xf32, #tpu.memory_space<vmem>>) attributes {dimension_semantics = [#tpu.dimension_semantics<arbitrary>], iteration_bounds = array<i64: 80>, scalar_prefetch = 0 : i64, scratch_operands = 0 : i64, tpu.core_type = #tpu.core_type<tc>, window_params = [{transform_indices = @transform_0, window_bounds = array<i64: 4000, 16>}, {pipeline_mode = #tpu.pipeline_mode<synchronous>, transform_indices = @transform_1, window_bounds = array<i64: 16, 128>}, {transform_indices = @transform_2, window_bounds = array<i64: 4000, 128>}]} {
    %get3A = arith.constant 0 : index
    %get3A_0 = arith.constant 0 : index
    %get3A_1 = vector.load %arg1[%get3A, %get3A_0] : memref<4000x16xf32, #tpu.memory_space<vmem>>, vector<4000x16xf32>
    %get3A_2 = arith.constant 0 : index
    %get3A_3 = arith.constant 0 : index
    %get3A_4 = vector.load %arg2[%get3A_2, %get3A_3] : memref<16x128xf32, #tpu.memory_space<vmem>>, vector<16x128xf32>
    %dot_general3A = arith.constant dense<0.000000e+00> : vector<4000x128xf32>
    %dot_general3A_5 = tpu.matmul %get3A_1, %get3A_4, %dot_general3A {dimension_numbers = #tpu.dot_dimension_numbers<[1], [0], [0], [1], [0, 0, 1, 1], [], []>, transpose_lhs_hint = false} : vector<4000x16xf32>, vector<16x128xf32>, vector<4000x128xf32> -> vector<4000x128xf32>
    %swap3A = arith.constant 0 : index
    %swap3A_6 = arith.constant 0 : index
    %swap3A_7 = vector.load %arg3[%swap3A, %swap3A_6] : memref<4000x128xf32, #tpu.memory_space<vmem>>, vector<4000x128xf32>
    tpu.vector_store %arg3[%swap3A, %swap3A_6], %dot_general3A_5 {strides = array<i32>} : memref<4000x128xf32, #tpu.memory_space<vmem>>, vector<4000x128xf32>,
    return
  }
  func.func @transform_0(%arg0: i32) -> (i32, i32) {
    %c0_i32 = arith.constant 0 : i32
    %c0_i32_0 = arith.constant 0 : i32
    return %arg0, %c0_i32 : i32, i32
  }
  func.func @transform_1(%arg0: i32) -> (i32, i32) {
    %c0_i32 = arith.constant 0 : i32
    %c0_i32_0 = arith.constant 0 : i32
    %c0_i32_1 = arith.constant 0 : i32
    return %c0_i32, %c0_i32_0 : i32, i32
  }
  func.func @transform_2(%arg0: i32) -> (i32, i32) {
    %c0_i32 = arith.constant 0 : i32
    %c0_i32_0 = arith.constant 0 : i32
    return %arg0, %c0_i32 : i32, i32
  }
}

module attributes {stable_mosaic.version = 14 : i64} {
  func.func @_mm_body(%arg0: i32, %arg1: memref<1000x128xf32, #tpu.memory_space<vmem>>, %arg2: memref<128x128xf32, #tpu.memory_space<vmem>>, %arg3: memref<1000x128xf32, #tpu.memory_space<vmem>>) attributes {dimension_semantics = [#tpu.dimension_semantics<arbitrary>], iteration_bounds = array<i64: 10>, scalar_prefetch = 0 : i64, scratch_operands = 0 : i64, tpu.core_type = #tpu.core_type<tc>, window_params = [{transform_indices = @transform_0, window_bounds = array<i64: 1000, 128>}, {pipeline_mode = #tpu.pipeline_mode<synchronous>, transform_indices = @transform_1, window_bounds = array<i64: 128, 128>}, {transform_indices = @transform_2, window_bounds = array<i64: 1000, 128>}]} {
    %get3A = arith.constant 0 : index
    %get3A_0 = arith.constant 0 : index
    %get3A_1 = vector.load %arg1[%get3A, %get3A_0] : memref<1000x128xf32, #tpu.memory_space<vmem>>, vector<1000x128xf32>
    %get3A_2 = arith.constant 0 : index
    %get3A_3 = arith.constant 0 : index
    %get3A_4 = vector.load %arg2[%get3A_2, %get3A_3] : memref<128x128xf32, #tpu.memory_space<vmem>>, vector<128x128xf32>
    %dot_general3A = arith.constant dense<0.000000e+00> : vector<1000x128xf32>
    %dot_general3A_5 = tpu.matmul %get3A_1, %get3A_4, %dot_general3A {dimension_numbers = #tpu.dot_dimension_numbers<[1], [0], [0], [1], [0, 0, 1, 1], [], []>, transpose_lhs_hint = false} : vector<1000x128xf32>, vector<128x128xf32>, vector<1000x128xf32> -> vector<1000x128xf32>
    %swap3A = arith.constant 0 : index
    %swap3A_6 = arith.constant 0 : index
    %swap3A_7 = vector.load %arg3[%swap3A, %swap3A_6] : memref<1000x128xf32, #tpu.memory_space<vmem>>, vector<1000x128xf32>
    tpu.vector_store %arg3[%swap3A, %swap3A_6], %dot_general3A_5 {strides = array<i32>} : memref<1000x128xf32, #tpu.memory_space<vmem>>, vector<1000x128xf32>,
    return
  }
  func.func @transform_0(%arg0: i32) -> (i32, i32) {
    %c0_i32 = arith.constant 0 : i32
    %c0_i32_0 = arith.constant 0 : i32
    return %arg0, %c0_i32 : i32, i32
  }
  func.func @transform_1(%arg0: i32) -> (i32, i32) {
    %c0_i32 = arith.constant 0 : i32
    %c0_i32_0 = arith.constant 0 : i32
    %c0_i32_1 = arith.constant 0 : i32
    return %c0_i32, %c0_i32_0 : i32, i32
  }
  func.func @transform_2(%arg0: i32) -> (i32, i32) {
    %c0_i32 = arith.constant 0 : i32
    %c0_i32_0 = arith.constant 0 : i32
    return %arg0, %c0_i32 : i32, i32
  }
}

module attributes {stable_mosaic.version = 14 : i64} {
  func.func @_gcnD_body(%arg0: memref<32x10000xf32, #tpu.memory_space<vmem>>, %arg1: memref<16x128xf32, #tpu.memory_space<vmem>>, %arg2: memref<10000x1xf32, #tpu.memory_space<vmem>>, %arg3: memref<10000x1xf32, #tpu.memory_space<vmem>>, %arg4: memref<10000x1xf32, #tpu.memory_space<vmem>>, %arg5: memref<1x128xf32, #tpu.memory_space<vmem>>) attributes {dimension_semantics = [], scalar_prefetch = 0 : i64, scratch_operands = 0 : i64, tpu.core_type = #tpu.core_type<tc>} {
    %broadcast_in_dim3A = arith.constant 1.000000e+00 : f32
    %broadcast_in_dim3A_0 = vector.broadcast %broadcast_in_dim3A : f32 to vector<32x1xf32>
    %get3A = arith.constant 0 : index
    %get3A_1 = arith.constant 0 : index
    %get3A_2 = vector.load %arg0[%get3A, %get3A_1] : memref<32x10000xf32, #tpu.memory_space<vmem>>, vector<32x10000xf32>
    %dot_general3A = arith.constant dense<0.000000e+00> : vector<10000x1xf32>
    %dot_general3A_3 = tpu.matmul %get3A_2, %broadcast_in_dim3A_0, %dot_general3A {dimension_numbers = #tpu.dot_dimension_numbers<[0], [0], [1], [1], [0, 1, 1, 1], [], []>, transpose_lhs_hint = false} : vector<32x10000xf32>, vector<32x1xf32>, vector<10000x1xf32> -> vector<10000x1xf32>
    %add3A = arith.constant 1.000000e+00 : f32
    %add3A_4 = vector.broadcast %add3A : f32 to vector<10000x1xf32>
    %add3A_5 = arith.addf %dot_general3A_3, %add3A_4 : vector<10000x1xf32>
    %div3A = arith.constant 1.000000e+00 : f32
    %div3A_6 = vector.broadcast %div3A : f32 to vector<10000x1xf32>
    %div3A_7 = arith.divf %div3A_6, %add3A_5 : vector<10000x1xf32>
    %rsqrt3A = math.rsqrt %add3A_5 : vector<10000x1xf32>
    %swap3A = arith.constant 0 : index
    %swap3A_8 = arith.constant 0 : index
    %swap3A_9 = vector.load %arg2[%swap3A, %swap3A_8] : memref<10000x1xf32, #tpu.memory_space<vmem>>, vector<10000x1xf32>
    tpu.vector_store %arg2[%swap3A, %swap3A_8], %rsqrt3A {strides = array<i32>} : memref<10000x1xf32, #tpu.memory_space<vmem>>, vector<10000x1xf32>,
    %swap3A_10 = arith.constant 0 : index
    %swap3A_11 = arith.constant 0 : index
    %swap3A_12 = vector.load %arg3[%swap3A_10, %swap3A_11] : memref<10000x1xf32, #tpu.memory_space<vmem>>, vector<10000x1xf32>
    tpu.vector_store %arg3[%swap3A_10, %swap3A_11], %div3A_7 {strides = array<i32>} : memref<10000x1xf32, #tpu.memory_space<vmem>>, vector<10000x1xf32>,
    %mul3A = arith.mulf %div3A_7, %div3A_7 : vector<10000x1xf32>
    %swap3A_13 = arith.constant 0 : index
    %swap3A_14 = arith.constant 0 : index
    %swap3A_15 = vector.load %arg4[%swap3A_13, %swap3A_14] : memref<10000x1xf32, #tpu.memory_space<vmem>>, vector<10000x1xf32>
    tpu.vector_store %arg4[%swap3A_13, %swap3A_14], %mul3A {strides = array<i32>} : memref<10000x1xf32, #tpu.memory_space<vmem>>, vector<10000x1xf32>,
    %get3A_16 = arith.constant 0 : index
    %get3A_17 = arith.constant 0 : index
    %get3A_18 = vector.load %arg1[%get3A_16, %get3A_17] : memref<16x128xf32, #tpu.memory_space<vmem>>, vector<16x128xf32>
    %reduce_sum3A = arith.constant dense<0.000000e+00> : vector<128xf32>
    %reduce_sum3A_19 = vector.multi_reduction <add>, %get3A_18, %reduce_sum3A [0] : vector<16x128xf32> to vector<128xf32>
    %broadcast_in_dim3A_20 = vector.shape_cast %reduce_sum3A_19 : vector<128xf32> to vector<1x128xf32>
    %swap3A_21 = arith.constant 0 : index
    %swap3A_22 = arith.constant 0 : index
    %swap3A_23 = vector.load %arg5[%swap3A_21, %swap3A_22] : memref<1x128xf32, #tpu.memory_space<vmem>>, vector<1x128xf32>
    tpu.vector_store %arg5[%swap3A_21, %swap3A_22], %broadcast_in_dim3A_20 {strides = array<i32>} : memref<1x128xf32, #tpu.memory_space<vmem>>, vector<1x128xf32>,
    return
  }
}

module attributes {stable_mosaic.version = 14 : i64} {
  func.func @_gcnB_body(%arg0: i32, %arg1: memref<1x1000x128xf32, #tpu.memory_space<vmem>>, %arg2: memref<1x1000x128xf32, #tpu.memory_space<vmem>>, %arg3: memref<1000x128xf32, #tpu.memory_space<vmem>>, %arg4: memref<1000x1xf32, #tpu.memory_space<vmem>>, %arg5: memref<1000x1xf32, #tpu.memory_space<vmem>>, %arg6: memref<1x128xf32, #tpu.memory_space<vmem>>, %arg7: memref<1x128xf32, #tpu.memory_space<vmem>>, %arg8: memref<1000x128xf32, #tpu.memory_space<vmem>>) attributes {dimension_semantics = [#tpu.dimension_semantics<arbitrary>], iteration_bounds = array<i64: 10>, scalar_prefetch = 0 : i64, scratch_operands = 0 : i64, tpu.core_type = #tpu.core_type<tc>, window_params = [{transform_indices = @transform_0, window_bounds = array<i64: 1, 1000, 128>}, {transform_indices = @transform_1, window_bounds = array<i64: 1, 1000, 128>}, {transform_indices = @transform_2, window_bounds = array<i64: 1000, 128>}, {transform_indices = @transform_3, window_bounds = array<i64: 1000, 1>}, {transform_indices = @transform_4, window_bounds = array<i64: 1000, 1>}, {pipeline_mode = #tpu.pipeline_mode<synchronous>, transform_indices = @transform_5, window_bounds = array<i64: 1, 128>}, {pipeline_mode = #tpu.pipeline_mode<synchronous>, transform_indices = @transform_6, window_bounds = array<i64: 1, 128>}, {transform_indices = @transform_7, window_bounds = array<i64: 1000, 128>}]} {
    %get3A = arith.constant 0 : index
    %get3A_0 = arith.constant 0 : index
    %get3A_1 = arith.constant 0 : index
    %get3A_2 = vector.load %arg1[%get3A, %get3A_0, %get3A_1] : memref<1x1000x128xf32, #tpu.memory_space<vmem>>, vector<1x1000x128xf32>
    %get3A_3 = vector.shape_cast %get3A_2 : vector<1x1000x128xf32> to vector<1000x128xf32>
    %get3A_4 = arith.constant 0 : index
    %get3A_5 = arith.constant 0 : index
    %get3A_6 = arith.constant 0 : index
    %get3A_7 = vector.load %arg2[%get3A_4, %get3A_5, %get3A_6] : memref<1x1000x128xf32, #tpu.memory_space<vmem>>, vector<1x1000x128xf32>
    %get3A_8 = vector.shape_cast %get3A_7 : vector<1x1000x128xf32> to vector<1000x128xf32>
    %add3A = arith.addf %get3A_3, %get3A_8 : vector<1000x128xf32>
    %get3A_9 = arith.constant 0 : index
    %get3A_10 = arith.constant 0 : index
    %get3A_11 = vector.load %arg3[%get3A_9, %get3A_10] : memref<1000x128xf32, #tpu.memory_space<vmem>>, vector<1000x128xf32>
    %get3A_12 = arith.constant 0 : index
    %get3A_13 = arith.constant 0 : index
    %get3A_14 = vector.load %arg6[%get3A_12, %get3A_13] : memref<1x128xf32, #tpu.memory_space<vmem>>, vector<1x128xf32>
    %mul3A = vector.broadcast %get3A_14 : vector<1x128xf32> to vector<1000x128xf32>
    %mul3A_15 = arith.mulf %get3A_11, %mul3A : vector<1000x128xf32>
    %tanh3A = math.tanh %mul3A_15 : vector<1000x128xf32>
    %get3A_16 = arith.constant 0 : index
    %get3A_17 = arith.constant 0 : index
    %get3A_18 = vector.load %arg4[%get3A_16, %get3A_17] : memref<1000x1xf32, #tpu.memory_space<vmem>>, vector<1000x1xf32>
    %mul3A_19 = vector.broadcast %get3A_18 : vector<1000x1xf32> to vector<1000x128xf32>
    %mul3A_20 = arith.mulf %add3A, %mul3A_19 : vector<1000x128xf32>
    %get3A_21 = arith.constant 0 : index
    %get3A_22 = arith.constant 0 : index
    %get3A_23 = vector.load %arg5[%get3A_21, %get3A_22] : memref<1000x1xf32, #tpu.memory_space<vmem>>, vector<1000x1xf32>
    %mul3A_24 = vector.broadcast %get3A_23 : vector<1000x1xf32> to vector<1000x128xf32>
    %mul3A_25 = arith.mulf %mul3A_24, %tanh3A : vector<1000x128xf32>
    %add3A_26 = arith.addf %mul3A_20, %mul3A_25 : vector<1000x128xf32>
    %get3A_27 = arith.constant 0 : index
    %get3A_28 = arith.constant 0 : index
    %get3A_29 = vector.load %arg7[%get3A_27, %get3A_28] : memref<1x128xf32, #tpu.memory_space<vmem>>, vector<1x128xf32>
    %add3A_30 = vector.broadcast %get3A_29 : vector<1x128xf32> to vector<1000x128xf32>
    %add3A_31 = arith.addf %add3A_26, %add3A_30 : vector<1000x128xf32>
    %logistic3A = arith.negf %add3A_31 : vector<1000x128xf32>
    %logistic3A_32 = math.exp %logistic3A : vector<1000x128xf32>
    %logistic3A_33 = arith.constant 1.000000e+00 : f32
    %logistic3A_34 = vector.broadcast %logistic3A_33 : f32 to vector<1000x128xf32>
    %logistic3A_35 = arith.addf %logistic3A_34, %logistic3A_32 : vector<1000x128xf32>
    %logistic3A_36 = arith.divf %logistic3A_34, %logistic3A_35 : vector<1000x128xf32>
    %swap3A = arith.constant 0 : index
    %swap3A_37 = arith.constant 0 : index
    %swap3A_38 = vector.load %arg8[%swap3A, %swap3A_37] : memref<1000x128xf32, #tpu.memory_space<vmem>>, vector<1000x128xf32>
    tpu.vector_store %arg8[%swap3A, %swap3A_37], %logistic3A_36 {strides = array<i32>} : memref<1000x128xf32, #tpu.memory_space<vmem>>, vector<1000x128xf32>,
    return
  }
  func.func @transform_0(%arg0: i32) -> (i32, i32, i32) {
    %c0_i32 = arith.constant 0 : i32
    %c0_i32_0 = arith.constant 0 : i32
    %c0_i32_1 = arith.constant 0 : i32
    return %c0_i32, %arg0, %c0_i32_0 : i32, i32, i32
  }
  func.func @transform_1(%arg0: i32) -> (i32, i32, i32) {
    %c1_i32 = arith.constant 1 : i32
    %c0_i32 = arith.constant 0 : i32
    %c0_i32_0 = arith.constant 0 : i32
    return %c1_i32, %arg0, %c0_i32 : i32, i32, i32
  }
  func.func @transform_2(%arg0: i32) -> (i32, i32) {
    %c0_i32 = arith.constant 0 : i32
    %c0_i32_0 = arith.constant 0 : i32
    return %arg0, %c0_i32 : i32, i32
  }
  func.func @transform_3(%arg0: i32) -> (i32, i32) {
    %c0_i32 = arith.constant 0 : i32
    %c0_i32_0 = arith.constant 0 : i32
    return %arg0, %c0_i32 : i32, i32
  }
  func.func @transform_4(%arg0: i32) -> (i32, i32) {
    %c0_i32 = arith.constant 0 : i32
    %c0_i32_0 = arith.constant 0 : i32
    return %arg0, %c0_i32 : i32, i32
  }
  func.func @transform_5(%arg0: i32) -> (i32, i32) {
    %c0_i32 = arith.constant 0 : i32
    %c0_i32_0 = arith.constant 0 : i32
    %c0_i32_1 = arith.constant 0 : i32
    return %c0_i32, %c0_i32_0 : i32, i32
  }
  func.func @transform_6(%arg0: i32) -> (i32, i32) {
    %c0_i32 = arith.constant 0 : i32
    %c0_i32_0 = arith.constant 0 : i32
    %c0_i32_1 = arith.constant 0 : i32
    return %c0_i32, %c0_i32_0 : i32, i32
  }
  func.func @transform_7(%arg0: i32) -> (i32, i32) {
    %c0_i32 = arith.constant 0 : i32
    %c0_i32_0 = arith.constant 0 : i32
    return %arg0, %c0_i32 : i32, i32
  }
}

module attributes {stable_mosaic.version = 14 : i64} {
  func.func @_lstm3s_body(%arg0: i32, %arg1: memref<1000x128xf32, #tpu.memory_space<vmem>>, %arg2: memref<128x512xf32, #tpu.memory_space<vmem>>, %arg3: memref<128x512xbf16, #tpu.memory_space<vmem>>, %arg4: memref<256x512xbf16, #tpu.memory_space<vmem>>, %arg5: memref<256x512xbf16, #tpu.memory_space<vmem>>, %arg6: memref<10000x128xf32, #tpu.memory_space<vmem>>, %arg7: memref<8x128xf32, #tpu.memory_space<vmem>>, %arg8: memref<1000x512xf32, #tpu.memory_space<vmem>>, %arg9: memref<8x128xf32, #tpu.memory_space<vmem>>) attributes {dimension_semantics = [#tpu.dimension_semantics<arbitrary>], iteration_bounds = array<i64: 10>, scalar_prefetch = 0 : i64, scratch_operands = 2 : i64, tpu.core_type = #tpu.core_type<tc>, window_params = [{transform_indices = @transform_0, window_bounds = array<i64: 1000, 128>}, {pipeline_mode = #tpu.pipeline_mode<synchronous>, transform_indices = @transform_1, window_bounds = array<i64: 128, 512>}, {pipeline_mode = #tpu.pipeline_mode<synchronous>, transform_indices = @transform_2, window_bounds = array<i64: 128, 512>}, {pipeline_mode = #tpu.pipeline_mode<synchronous>, transform_indices = @transform_3, window_bounds = array<i64: 256, 512>}, {pipeline_mode = #tpu.pipeline_mode<synchronous>, transform_indices = @transform_4, window_bounds = array<i64: 256, 512>}, {pipeline_mode = #tpu.pipeline_mode<synchronous>, transform_indices = @transform_5, window_bounds = array<i64: 10000, 128>}, {pipeline_mode = #tpu.pipeline_mode<synchronous>, transform_indices = @transform_6, window_bounds = array<i64: 8, 128>}]} {
    %mul3A = arith.constant 1000 : i32
    %mul3A_0 = arith.muli %arg0, %mul3A : i32
    %get3A = arith.constant 0 : index
    %get3A_1 = arith.constant 0 : index
    %get3A_2 = vector.load %arg1[%get3A, %get3A_1] : memref<1000x128xf32, #tpu.memory_space<vmem>>, vector<1000x128xf32>
    %get3A_3 = arith.constant 0 : index
    %get3A_4 = arith.constant 0 : index
    %get3A_5 = vector.load %arg2[%get3A_3, %get3A_4] : memref<128x512xf32, #tpu.memory_space<vmem>>, vector<128x512xf32>
    %dot_general3A = arith.constant dense<0.000000e+00> : vector<1000x512xf32>
    %dot_general3A_6 = tpu.matmul %get3A_2, %get3A_5, %dot_general3A {dimension_numbers = #tpu.dot_dimension_numbers<[1], [0], [0], [1], [0, 0, 1, 1], [], []>, transpose_lhs_hint = false} : vector<1000x128xf32>, vector<128x512xf32>, vector<1000x512xf32> -> vector<1000x512xf32>
    %swap3A = arith.constant 0 : index
    %swap3A_7 = arith.constant 0 : index
    %swap3A_8 = vector.load %arg8[%swap3A, %swap3A_7] : memref<1000x512xf32, #tpu.memory_space<vmem>>, vector<1000x512xf32>
    tpu.vector_store %arg8[%swap3A, %swap3A_7], %dot_general3A_6 {strides = array<i32>} : memref<1000x512xf32, #tpu.memory_space<vmem>>, vector<1000x512xf32>,
    %eq3A = arith.constant 0 : i32
    %eq3A_9 = arith.cmpi eq, %arg0, %eq3A : i32
    %convert_element_type3A = arith.extui %eq3A_9 : i1 to i32
    %cond3A = arith.constant 0 : i32
    %cond3A_10 = arith.cmpi ne, %convert_element_type3A, %cond3A : i32
    scf.if %cond3A_10 {
      %broadcast_in_dim3A = arith.constant 0.000000e+00 : f32
      %broadcast_in_dim3A_86 = vector.broadcast %broadcast_in_dim3A : f32 to vector<8x128xf32>
      %swap3A_87 = arith.constant 0 : index
      %swap3A_88 = arith.constant 0 : index
      %swap3A_89 = vector.load %arg9[%swap3A_87, %swap3A_88] : memref<8x128xf32, #tpu.memory_space<vmem>>, vector<8x128xf32>
      tpu.vector_store %arg9[%swap3A_87, %swap3A_88], %broadcast_in_dim3A_86 {strides = array<i32>} : memref<8x128xf32, #tpu.memory_space<vmem>>, vector<8x128xf32>,
    } else {
    }
    %get3A_11 = arith.constant 0 : index
    %get3A_12 = arith.constant 0 : index
    %get3A_13 = vector.load %arg3[%get3A_11, %get3A_12] : memref<128x512xbf16, #tpu.memory_space<vmem>>, vector<128x512xbf16>
    %get3A_14 = arith.constant 0 : index
    %get3A_15 = arith.constant 0 : index
    %get3A_16 = vector.load %arg4[%get3A_14, %get3A_15] : memref<256x512xbf16, #tpu.memory_space<vmem>>, vector<256x512xbf16>
    %get3A_17 = arith.constant 0 : index
    %get3A_18 = arith.constant 0 : index
    %get3A_19 = vector.load %arg5[%get3A_17, %get3A_18] : memref<256x512xbf16, #tpu.memory_space<vmem>>, vector<256x512xbf16>
    %eq3A_20 = arith.constant 9 : i32
    %eq3A_21 = arith.cmpi eq, %arg0, %eq3A_20 : i32
    %jit3A = arith.constant 1002 : i32
    %jit3A_22 = arith.constant 1000 : i32
    %select_n3A = arith.select %eq3A_21, %jit3A, %jit3A_22 : i32
    %get3A_23 = arith.constant 0 : index
    %get3A_24 = arith.constant 0 : index
    %get3A_25 = vector.load %arg9[%get3A_23, %get3A_24] : memref<8x128xf32, #tpu.memory_space<vmem>>, vector<1x128xf32>
    %get3A_26 = arith.constant 1 : index
    %get3A_27 = arith.constant 0 : index
    %get3A_28 = vector.load %arg9[%get3A_26, %get3A_27] : memref<8x128xf32, #tpu.memory_space<vmem>>, vector<1x128xf32>
    %get3A_29 = arith.constant 2 : index
    %get3A_30 = arith.constant 0 : index
    %get3A_31 = vector.load %arg9[%get3A_29, %get3A_30] : memref<8x128xf32, #tpu.memory_space<vmem>>, vector<1x128xf32>
    %get3A_32 = arith.constant 3 : index
    %get3A_33 = arith.constant 0 : index
    %get3A_34 = vector.load %arg9[%get3A_32, %get3A_33] : memref<8x128xf32, #tpu.memory_space<vmem>>, vector<1x128xf32>
    %get3A_35 = arith.constant 4 : index
    %get3A_36 = arith.constant 0 : index
    %get3A_37 = vector.load %arg9[%get3A_35, %get3A_36] : memref<8x128xf32, #tpu.memory_space<vmem>>, vector<1x128xf32>
    %get3A_38 = arith.constant 5 : index
    %get3A_39 = arith.constant 0 : index
    %get3A_40 = vector.load %arg9[%get3A_38, %get3A_39] : memref<8x128xf32, #tpu.memory_space<vmem>>, vector<1x128xf32>
    %get3A_41 = arith.constant 6 : index
    %get3A_42 = arith.constant 0 : index
    %get3A_43 = vector.load %arg9[%get3A_41, %get3A_42] : memref<8x128xf32, #tpu.memory_space<vmem>>, vector<1x128xf32>
    %get3A_44 = arith.constant 7 : index
    %get3A_45 = arith.constant 0 : index
    %get3A_46 = vector.load %arg9[%get3A_44, %get3A_45] : memref<8x128xf32, #tpu.memory_space<vmem>>, vector<1x128xf32>
    %while3A = arith.constant 0 : i32
    %while3A_47 = arith.subi %select_n3A, %while3A : i32
    %while3A_48 = arith.addi %while3A, %while3A_47 : i32
    %while3A_49 = arith.constant 1 : i32
    %while3A_50 = arith.divsi %while3A_47, %while3A_49 : i32
    %while3A_51 = arith.muli %while3A_50, %while3A_49 : i32
    %while3A_52 = arith.addi %while3A, %while3A_51 : i32
    %while3A_53 = arith.constant 1 : i32
    %while3A_54:8 = scf.for %while3A_86 = %while3A to %while3A_52 step %while3A_53 iter_args(%while3A_87 = %get3A_25, %while3A_88 = %get3A_28, %while3A_89 = %get3A_31, %while3A_90 = %get3A_34, %while3A_91 = %get3A_37, %while3A_92 = %get3A_40, %while3A_93 = %get3A_43, %while3A_94 = %get3A_46) -> (vector<1x128xf32>, vector<1x128xf32>, vector<1x128xf32>, vector<1x128xf32>, vector<1x128xf32>, vector<1x128xf32>, vector<1x128xf32>, vector<1x128xf32>)  : i32 {
      %min3A = arith.constant 999 : i32
      %min3A_95 = arith.minsi %while3A_86, %min3A : i32
      %get3A_96 = arith.index_cast %min3A_95 : i32 to index
      %get3A_97 = arith.constant 0 : index
      %get3A_98 = vector.load %arg8[%get3A_96, %get3A_97] : memref<1000x512xf32, #tpu.memory_space<vmem>>, vector<1x512xf32>
      %dot_general3A_99 = arith.constant dense<0.000000e+00> : vector<1x512xf32>
      %dot_general3A_100 = tpu.matmul %while3A_87, %get3A_13, %dot_general3A_99 {dimension_numbers = #tpu.dot_dimension_numbers<[1], [0], [0], [1], [0, 0, 1, 1], [], []>, transpose_lhs_hint = false} : vector<1x128xf32>, vector<128x512xbf16>, vector<1x512xf32> -> vector<1x512xf32>
      %add3A = arith.addf %get3A_98, %dot_general3A_100 : vector<1x512xf32>
      %concatenate3A = tpu.concatenate %while3A_87, %while3A_88 in 1 : vector<1x128xf32>, vector<1x128xf32> -> vector<1x256xf32>
      %dot_general3A_101 = arith.constant dense<0.000000e+00> : vector<1x512xf32>
      %dot_general3A_102 = tpu.matmul %concatenate3A, %get3A_16, %dot_general3A_101 {dimension_numbers = #tpu.dot_dimension_numbers<[1], [0], [0], [1], [0, 0, 1, 1], [], []>, transpose_lhs_hint = false} : vector<1x256xf32>, vector<256x512xbf16>, vector<1x512xf32> -> vector<1x512xf32>
      %concatenate3A_103 = tpu.concatenate %while3A_88, %while3A_89 in 1 : vector<1x128xf32>, vector<1x128xf32> -> vector<1x256xf32>
      %dot_general3A_104 = arith.constant dense<0.000000e+00> : vector<1x512xf32>
      %dot_general3A_105 = tpu.matmul %concatenate3A_103, %get3A_19, %dot_general3A_104 {dimension_numbers = #tpu.dot_dimension_numbers<[1], [0], [0], [1], [0, 0, 1, 1], [], []>, transpose_lhs_hint = false} : vector<1x256xf32>, vector<256x512xbf16>, vector<1x512xf32> -> vector<1x512xf32>
      %slice3A = vector.extract_strided_slice %add3A {offsets = [0, 0], sizes = [1, 384], strides = [1, 1]} : vector<1x512xf32> to vector<1x384xf32>
      %logistic3A = arith.negf %slice3A : vector<1x384xf32>
      %logistic3A_106 = math.exp %logistic3A : vector<1x384xf32>
      %logistic3A_107 = arith.constant 1.000000e+00 : f32
      %logistic3A_108 = vector.broadcast %logistic3A_107 : f32 to vector<1x384xf32>
      %logistic3A_109 = arith.addf %logistic3A_108, %logistic3A_106 : vector<1x384xf32>
      %logistic3A_110 = arith.divf %logistic3A_108, %logistic3A_109 : vector<1x384xf32>
      %slice3A_111 = vector.extract_strided_slice %add3A {offsets = [0, 384], sizes = [1, 128], strides = [1, 1]} : vector<1x512xf32> to vector<1x128xf32>
      %tanh3A = math.tanh %slice3A_111 : vector<1x128xf32>
      %slice3A_112 = vector.extract_strided_slice %logistic3A_110 {offsets = [0, 128], sizes = [1, 128], strides = [1, 1]} : vector<1x384xf32> to vector<1x128xf32>
      %mul3A_113 = arith.mulf %slice3A_112, %while3A_90 : vector<1x128xf32>
      %slice3A_114 = vector.extract_strided_slice %logistic3A_110 {offsets = [0, 0], sizes = [1, 128], strides = [1, 1]} : vector<1x384xf32> to vector<1x128xf32>
      %mul3A_115 = arith.mulf %slice3A_114, %tanh3A : vector<1x128xf32>
      %add3A_116 = arith.addf %mul3A_113, %mul3A_115 : vector<1x128xf32>
      %slice3A_117 = vector.extract_strided_slice %logistic3A_110 {offsets = [0, 256], sizes = [1, 128], strides = [1, 1]} : vector<1x384xf32> to vector<1x128xf32>
      %tanh3A_118 = math.tanh %add3A_116 : vector<1x128xf32>
      %mul3A_119 = arith.mulf %slice3A_117, %tanh3A_118 : vector<1x128xf32>
      %slice3A_120 = vector.extract_strided_slice %dot_general3A_102 {offsets = [0, 0], sizes = [1, 384], strides = [1, 1]} : vector<1x512xf32> to vector<1x384xf32>
      %logistic3A_121 = arith.negf %slice3A_120 : vector<1x384xf32>
      %logistic3A_122 = math.exp %logistic3A_121 : vector<1x384xf32>
      %logistic3A_123 = arith.constant 1.000000e+00 : f32
      %logistic3A_124 = vector.broadcast %logistic3A_123 : f32 to vector<1x384xf32>
      %logistic3A_125 = arith.addf %logistic3A_124, %logistic3A_122 : vector<1x384xf32>
      %logistic3A_126 = arith.divf %logistic3A_124, %logistic3A_125 : vector<1x384xf32>
      %slice3A_127 = vector.extract_strided_slice %dot_general3A_102 {offsets = [0, 384], sizes = [1, 128], strides = [1, 1]} : vector<1x512xf32> to vector<1x128xf32>
      %tanh3A_128 = math.tanh %slice3A_127 : vector<1x128xf32>
      %slice3A_129 = vector.extract_strided_slice %logistic3A_126 {offsets = [0, 128], sizes = [1, 128], strides = [1, 1]} : vector<1x384xf32> to vector<1x128xf32>
      %mul3A_130 = arith.mulf %slice3A_129, %while3A_91 : vector<1x128xf32>
      %slice3A_131 = vector.extract_strided_slice %logistic3A_126 {offsets = [0, 0], sizes = [1, 128], strides = [1, 1]} : vector<1x384xf32> to vector<1x128xf32>
      %mul3A_132 = arith.mulf %slice3A_131, %tanh3A_128 : vector<1x128xf32>
      %add3A_133 = arith.addf %mul3A_130, %mul3A_132 : vector<1x128xf32>
      %slice3A_134 = vector.extract_strided_slice %logistic3A_126 {offsets = [0, 256], sizes = [1, 128], strides = [1, 1]} : vector<1x384xf32> to vector<1x128xf32>
      %tanh3A_135 = math.tanh %add3A_133 : vector<1x128xf32>
      %mul3A_136 = arith.mulf %slice3A_134, %tanh3A_135 : vector<1x128xf32>
      %slice3A_137 = vector.extract_strided_slice %dot_general3A_105 {offsets = [0, 0], sizes = [1, 384], strides = [1, 1]} : vector<1x512xf32> to vector<1x384xf32>
      %logistic3A_138 = arith.negf %slice3A_137 : vector<1x384xf32>
      %logistic3A_139 = math.exp %logistic3A_138 : vector<1x384xf32>
      %logistic3A_140 = arith.constant 1.000000e+00 : f32
      %logistic3A_141 = vector.broadcast %logistic3A_140 : f32 to vector<1x384xf32>
      %logistic3A_142 = arith.addf %logistic3A_141, %logistic3A_139 : vector<1x384xf32>
      %logistic3A_143 = arith.divf %logistic3A_141, %logistic3A_142 : vector<1x384xf32>
      %slice3A_144 = vector.extract_strided_slice %dot_general3A_105 {offsets = [0, 384], sizes = [1, 128], strides = [1, 1]} : vector<1x512xf32> to vector<1x128xf32>
      %tanh3A_145 = math.tanh %slice3A_144 : vector<1x128xf32>
      %slice3A_146 = vector.extract_strided_slice %logistic3A_143 {offsets = [0, 128], sizes = [1, 128], strides = [1, 1]} : vector<1x384xf32> to vector<1x128xf32>
      %mul3A_147 = arith.mulf %slice3A_146, %while3A_92 : vector<1x128xf32>
      %slice3A_148 = vector.extract_strided_slice %logistic3A_143 {offsets = [0, 0], sizes = [1, 128], strides = [1, 1]} : vector<1x384xf32> to vector<1x128xf32>
      %mul3A_149 = arith.mulf %slice3A_148, %tanh3A_145 : vector<1x128xf32>
      %add3A_150 = arith.addf %mul3A_147, %mul3A_149 : vector<1x128xf32>
      %slice3A_151 = vector.extract_strided_slice %logistic3A_143 {offsets = [0, 256], sizes = [1, 128], strides = [1, 1]} : vector<1x384xf32> to vector<1x128xf32>
      %tanh3A_152 = math.tanh %add3A_150 : vector<1x128xf32>
      %mul3A_153 = arith.mulf %slice3A_151, %tanh3A_152 : vector<1x128xf32>
      %add3A_154 = arith.addi %mul3A_0, %while3A_86 : i32
      %sub3A = arith.constant 2 : i32
      %sub3A_155 = arith.subi %add3A_154, %sub3A : i32
      %max3A = arith.constant 0 : i32
      %max3A_156 = arith.maxsi %sub3A_155, %max3A : i32
      %swap3A_157 = arith.index_cast %max3A_156 : i32 to index
      %swap3A_158 = arith.constant 0 : index
      %swap3A_159 = vector.load %arg6[%swap3A_157, %swap3A_158] : memref<10000x128xf32, #tpu.memory_space<vmem>>, vector<1x128xf32>
      tpu.vector_store %arg6[%swap3A_157, %swap3A_158], %mul3A_153 {strides = array<i32>} : memref<10000x128xf32, #tpu.memory_space<vmem>>, vector<1x128xf32>,
      %add3A_160 = arith.addi %mul3A_0, %while3A_86 : i32
      %eq3A_161 = arith.constant 9999 : i32
      %eq3A_162 = arith.cmpi eq, %add3A_160, %eq3A_161 : i32
      %select_n3A_163 = arith.select %eq3A_162, %mul3A_119, %while3A_93 : vector<1x128xf32>
      %eq3A_164 = arith.constant 10000 : i32
      %eq3A_165 = arith.cmpi eq, %add3A_160, %eq3A_164 : i32
      %select_n3A_166 = arith.select %eq3A_165, %mul3A_136, %while3A_94 : vector<1x128xf32>
      scf.yield %mul3A_119, %mul3A_136, %mul3A_153, %add3A_116, %add3A_133, %add3A_150, %select_n3A_163, %select_n3A_166 : vector<1x128xf32>, vector<1x128xf32>, vector<1x128xf32>, vector<1x128xf32>, vector<1x128xf32>, vector<1x128xf32>, vector<1x128xf32>, vector<1x128xf32>
    }
    %while3A_55 = arith.constant 1 : i32
    %while3A_56:8 = scf.for %while3A_86 = %while3A_52 to %while3A_48 step %while3A_55 iter_args(%while3A_87 = %while3A_54#0, %while3A_88 = %while3A_54#1, %while3A_89 = %while3A_54#2, %while3A_90 = %while3A_54#3, %while3A_91 = %while3A_54#4, %while3A_92 = %while3A_54#5, %while3A_93 = %while3A_54#6, %while3A_94 = %while3A_54#7) -> (vector<1x128xf32>, vector<1x128xf32>, vector<1x128xf32>, vector<1x128xf32>, vector<1x128xf32>, vector<1x128xf32>, vector<1x128xf32>, vector<1x128xf32>)  : i32 {
      %min3A = arith.constant 999 : i32
      %min3A_95 = arith.minsi %while3A_86, %min3A : i32
      %get3A_96 = arith.index_cast %min3A_95 : i32 to index
      %get3A_97 = arith.constant 0 : index
      %get3A_98 = vector.load %arg8[%get3A_96, %get3A_97] : memref<1000x512xf32, #tpu.memory_space<vmem>>, vector<1x512xf32>
      %dot_general3A_99 = arith.constant dense<0.000000e+00> : vector<1x512xf32>
      %dot_general3A_100 = tpu.matmul %while3A_87, %get3A_13, %dot_general3A_99 {dimension_numbers = #tpu.dot_dimension_numbers<[1], [0], [0], [1], [0, 0, 1, 1], [], []>, transpose_lhs_hint = false} : vector<1x128xf32>, vector<128x512xbf16>, vector<1x512xf32> -> vector<1x512xf32>
      %add3A = arith.addf %get3A_98, %dot_general3A_100 : vector<1x512xf32>
      %concatenate3A = tpu.concatenate %while3A_87, %while3A_88 in 1 : vector<1x128xf32>, vector<1x128xf32> -> vector<1x256xf32>
      %dot_general3A_101 = arith.constant dense<0.000000e+00> : vector<1x512xf32>
      %dot_general3A_102 = tpu.matmul %concatenate3A, %get3A_16, %dot_general3A_101 {dimension_numbers = #tpu.dot_dimension_numbers<[1], [0], [0], [1], [0, 0, 1, 1], [], []>, transpose_lhs_hint = false} : vector<1x256xf32>, vector<256x512xbf16>, vector<1x512xf32> -> vector<1x512xf32>
      %concatenate3A_103 = tpu.concatenate %while3A_88, %while3A_89 in 1 : vector<1x128xf32>, vector<1x128xf32> -> vector<1x256xf32>
      %dot_general3A_104 = arith.constant dense<0.000000e+00> : vector<1x512xf32>
      %dot_general3A_105 = tpu.matmul %concatenate3A_103, %get3A_19, %dot_general3A_104 {dimension_numbers = #tpu.dot_dimension_numbers<[1], [0], [0], [1], [0, 0, 1, 1], [], []>, transpose_lhs_hint = false} : vector<1x256xf32>, vector<256x512xbf16>, vector<1x512xf32> -> vector<1x512xf32>
      %slice3A = vector.extract_strided_slice %add3A {offsets = [0, 0], sizes = [1, 384], strides = [1, 1]} : vector<1x512xf32> to vector<1x384xf32>
      %logistic3A = arith.negf %slice3A : vector<1x384xf32>
      %logistic3A_106 = math.exp %logistic3A : vector<1x384xf32>
      %logistic3A_107 = arith.constant 1.000000e+00 : f32
      %logistic3A_108 = vector.broadcast %logistic3A_107 : f32 to vector<1x384xf32>
      %logistic3A_109 = arith.addf %logistic3A_108, %logistic3A_106 : vector<1x384xf32>
      %logistic3A_110 = arith.divf %logistic3A_108, %logistic3A_109 : vector<1x384xf32>
      %slice3A_111 = vector.extract_strided_slice %add3A {offsets = [0, 384], sizes = [1, 128], strides = [1, 1]} : vector<1x512xf32> to vector<1x128xf32>
      %tanh3A = math.tanh %slice3A_111 : vector<1x128xf32>
      %slice3A_112 = vector.extract_strided_slice %logistic3A_110 {offsets = [0, 128], sizes = [1, 128], strides = [1, 1]} : vector<1x384xf32> to vector<1x128xf32>
      %mul3A_113 = arith.mulf %slice3A_112, %while3A_90 : vector<1x128xf32>
      %slice3A_114 = vector.extract_strided_slice %logistic3A_110 {offsets = [0, 0], sizes = [1, 128], strides = [1, 1]} : vector<1x384xf32> to vector<1x128xf32>
      %mul3A_115 = arith.mulf %slice3A_114, %tanh3A : vector<1x128xf32>
      %add3A_116 = arith.addf %mul3A_113, %mul3A_115 : vector<1x128xf32>
      %slice3A_117 = vector.extract_strided_slice %logistic3A_110 {offsets = [0, 256], sizes = [1, 128], strides = [1, 1]} : vector<1x384xf32> to vector<1x128xf32>
      %tanh3A_118 = math.tanh %add3A_116 : vector<1x128xf32>
      %mul3A_119 = arith.mulf %slice3A_117, %tanh3A_118 : vector<1x128xf32>
      %slice3A_120 = vector.extract_strided_slice %dot_general3A_102 {offsets = [0, 0], sizes = [1, 384], strides = [1, 1]} : vector<1x512xf32> to vector<1x384xf32>
      %logistic3A_121 = arith.negf %slice3A_120 : vector<1x384xf32>
      %logistic3A_122 = math.exp %logistic3A_121 : vector<1x384xf32>
      %logistic3A_123 = arith.constant 1.000000e+00 : f32
      %logistic3A_124 = vector.broadcast %logistic3A_123 : f32 to vector<1x384xf32>
      %logistic3A_125 = arith.addf %logistic3A_124, %logistic3A_122 : vector<1x384xf32>
      %logistic3A_126 = arith.divf %logistic3A_124, %logistic3A_125 : vector<1x384xf32>
      %slice3A_127 = vector.extract_strided_slice %dot_general3A_102 {offsets = [0, 384], sizes = [1, 128], strides = [1, 1]} : vector<1x512xf32> to vector<1x128xf32>
      %tanh3A_128 = math.tanh %slice3A_127 : vector<1x128xf32>
      %slice3A_129 = vector.extract_strided_slice %logistic3A_126 {offsets = [0, 128], sizes = [1, 128], strides = [1, 1]} : vector<1x384xf32> to vector<1x128xf32>
      %mul3A_130 = arith.mulf %slice3A_129, %while3A_91 : vector<1x128xf32>
      %slice3A_131 = vector.extract_strided_slice %logistic3A_126 {offsets = [0, 0], sizes = [1, 128], strides = [1, 1]} : vector<1x384xf32> to vector<1x128xf32>
      %mul3A_132 = arith.mulf %slice3A_131, %tanh3A_128 : vector<1x128xf32>
      %add3A_133 = arith.addf %mul3A_130, %mul3A_132 : vector<1x128xf32>
      %slice3A_134 = vector.extract_strided_slice %logistic3A_126 {offsets = [0, 256], sizes = [1, 128], strides = [1, 1]} : vector<1x384xf32> to vector<1x128xf32>
      %tanh3A_135 = math.tanh %add3A_133 : vector<1x128xf32>
      %mul3A_136 = arith.mulf %slice3A_134, %tanh3A_135 : vector<1x128xf32>
      %slice3A_137 = vector.extract_strided_slice %dot_general3A_105 {offsets = [0, 0], sizes = [1, 384], strides = [1, 1]} : vector<1x512xf32> to vector<1x384xf32>
      %logistic3A_138 = arith.negf %slice3A_137 : vector<1x384xf32>
      %logistic3A_139 = math.exp %logistic3A_138 : vector<1x384xf32>
      %logistic3A_140 = arith.constant 1.000000e+00 : f32
      %logistic3A_141 = vector.broadcast %logistic3A_140 : f32 to vector<1x384xf32>
      %logistic3A_142 = arith.addf %logistic3A_141, %logistic3A_139 : vector<1x384xf32>
      %logistic3A_143 = arith.divf %logistic3A_141, %logistic3A_142 : vector<1x384xf32>
      %slice3A_144 = vector.extract_strided_slice %dot_general3A_105 {offsets = [0, 384], sizes = [1, 128], strides = [1, 1]} : vector<1x512xf32> to vector<1x128xf32>
      %tanh3A_145 = math.tanh %slice3A_144 : vector<1x128xf32>
      %slice3A_146 = vector.extract_strided_slice %logistic3A_143 {offsets = [0, 128], sizes = [1, 128], strides = [1, 1]} : vector<1x384xf32> to vector<1x128xf32>
      %mul3A_147 = arith.mulf %slice3A_146, %while3A_92 : vector<1x128xf32>
      %slice3A_148 = vector.extract_strided_slice %logistic3A_143 {offsets = [0, 0], sizes = [1, 128], strides = [1, 1]} : vector<1x384xf32> to vector<1x128xf32>
      %mul3A_149 = arith.mulf %slice3A_148, %tanh3A_145 : vector<1x128xf32>
      %add3A_150 = arith.addf %mul3A_147, %mul3A_149 : vector<1x128xf32>
      %slice3A_151 = vector.extract_strided_slice %logistic3A_143 {offsets = [0, 256], sizes = [1, 128], strides = [1, 1]} : vector<1x384xf32> to vector<1x128xf32>
      %tanh3A_152 = math.tanh %add3A_150 : vector<1x128xf32>
      %mul3A_153 = arith.mulf %slice3A_151, %tanh3A_152 : vector<1x128xf32>
      %add3A_154 = arith.addi %mul3A_0, %while3A_86 : i32
      %sub3A = arith.constant 2 : i32
      %sub3A_155 = arith.subi %add3A_154, %sub3A : i32
      %max3A = arith.constant 0 : i32
      %max3A_156 = arith.maxsi %sub3A_155, %max3A : i32
      %swap3A_157 = arith.index_cast %max3A_156 : i32 to index
      %swap3A_158 = arith.constant 0 : index
      %swap3A_159 = vector.load %arg6[%swap3A_157, %swap3A_158] : memref<10000x128xf32, #tpu.memory_space<vmem>>, vector<1x128xf32>
      tpu.vector_store %arg6[%swap3A_157, %swap3A_158], %mul3A_153 {strides = array<i32>} : memref<10000x128xf32, #tpu.memory_space<vmem>>, vector<1x128xf32>,
      %add3A_160 = arith.addi %mul3A_0, %while3A_86 : i32
      %eq3A_161 = arith.constant 9999 : i32
      %eq3A_162 = arith.cmpi eq, %add3A_160, %eq3A_161 : i32
      %select_n3A_163 = arith.select %eq3A_162, %mul3A_119, %while3A_93 : vector<1x128xf32>
      %eq3A_164 = arith.constant 10000 : i32
      %eq3A_165 = arith.cmpi eq, %add3A_160, %eq3A_164 : i32
      %select_n3A_166 = arith.select %eq3A_165, %mul3A_136, %while3A_94 : vector<1x128xf32>
      scf.yield %mul3A_119, %mul3A_136, %mul3A_153, %add3A_116, %add3A_133, %add3A_150, %select_n3A_163, %select_n3A_166 : vector<1x128xf32>, vector<1x128xf32>, vector<1x128xf32>, vector<1x128xf32>, vector<1x128xf32>, vector<1x128xf32>, vector<1x128xf32>, vector<1x128xf32>
    }
    %swap3A_57 = arith.constant 0 : index
    %swap3A_58 = arith.constant 0 : index
    %swap3A_59 = vector.load %arg9[%swap3A_57, %swap3A_58] : memref<8x128xf32, #tpu.memory_space<vmem>>, vector<1x128xf32>
    tpu.vector_store %arg9[%swap3A_57, %swap3A_58], %while3A_56#0 {strides = array<i32>} : memref<8x128xf32, #tpu.memory_space<vmem>>, vector<1x128xf32>,
    %swap3A_60 = arith.constant 1 : index
    %swap3A_61 = arith.constant 0 : index
    %swap3A_62 = vector.load %arg9[%swap3A_60, %swap3A_61] : memref<8x128xf32, #tpu.memory_space<vmem>>, vector<1x128xf32>
    tpu.vector_store %arg9[%swap3A_60, %swap3A_61], %while3A_56#1 {strides = array<i32>} : memref<8x128xf32, #tpu.memory_space<vmem>>, vector<1x128xf32>,
    %swap3A_63 = arith.constant 2 : index
    %swap3A_64 = arith.constant 0 : index
    %swap3A_65 = vector.load %arg9[%swap3A_63, %swap3A_64] : memref<8x128xf32, #tpu.memory_space<vmem>>, vector<1x128xf32>
    tpu.vector_store %arg9[%swap3A_63, %swap3A_64], %while3A_56#2 {strides = array<i32>} : memref<8x128xf32, #tpu.memory_space<vmem>>, vector<1x128xf32>,
    %swap3A_66 = arith.constant 3 : index
    %swap3A_67 = arith.constant 0 : index
    %swap3A_68 = vector.load %arg9[%swap3A_66, %swap3A_67] : memref<8x128xf32, #tpu.memory_space<vmem>>, vector<1x128xf32>
    tpu.vector_store %arg9[%swap3A_66, %swap3A_67], %while3A_56#3 {strides = array<i32>} : memref<8x128xf32, #tpu.memory_space<vmem>>, vector<1x128xf32>,
    %swap3A_69 = arith.constant 4 : index
    %swap3A_70 = arith.constant 0 : index
    %swap3A_71 = vector.load %arg9[%swap3A_69, %swap3A_70] : memref<8x128xf32, #tpu.memory_space<vmem>>, vector<1x128xf32>
    tpu.vector_store %arg9[%swap3A_69, %swap3A_70], %while3A_56#4 {strides = array<i32>} : memref<8x128xf32, #tpu.memory_space<vmem>>, vector<1x128xf32>,
    %swap3A_72 = arith.constant 5 : index
    %swap3A_73 = arith.constant 0 : index
    %swap3A_74 = vector.load %arg9[%swap3A_72, %swap3A_73] : memref<8x128xf32, #tpu.memory_space<vmem>>, vector<1x128xf32>
    tpu.vector_store %arg9[%swap3A_72, %swap3A_73], %while3A_56#5 {strides = array<i32>} : memref<8x128xf32, #tpu.memory_space<vmem>>, vector<1x128xf32>,
    %swap3A_75 = arith.constant 6 : index
    %swap3A_76 = arith.constant 0 : index
    %swap3A_77 = vector.load %arg9[%swap3A_75, %swap3A_76] : memref<8x128xf32, #tpu.memory_space<vmem>>, vector<1x128xf32>
    tpu.vector_store %arg9[%swap3A_75, %swap3A_76], %while3A_56#6 {strides = array<i32>} : memref<8x128xf32, #tpu.memory_space<vmem>>, vector<1x128xf32>,
    %swap3A_78 = arith.constant 7 : index
    %swap3A_79 = arith.constant 0 : index
    %swap3A_80 = vector.load %arg9[%swap3A_78, %swap3A_79] : memref<8x128xf32, #tpu.memory_space<vmem>>, vector<1x128xf32>
    tpu.vector_store %arg9[%swap3A_78, %swap3A_79], %while3A_56#7 {strides = array<i32>} : memref<8x128xf32, #tpu.memory_space<vmem>>, vector<1x128xf32>,
    %eq3A_81 = arith.constant 9 : i32
    %eq3A_82 = arith.cmpi eq, %arg0, %eq3A_81 : i32
    %convert_element_type3A_83 = arith.extui %eq3A_82 : i1 to i32
    %cond3A_84 = arith.constant 0 : i32
    %cond3A_85 = arith.cmpi ne, %convert_element_type3A_83, %cond3A_84 : i32
    scf.if %cond3A_85 {
      %swap3A_86 = arith.constant 0 : index
      %swap3A_87 = arith.constant 0 : index
      %swap3A_88 = vector.load %arg7[%swap3A_86, %swap3A_87] : memref<8x128xf32, #tpu.memory_space<vmem>>, vector<1x128xf32>
      tpu.vector_store %arg7[%swap3A_86, %swap3A_87], %while3A_56#6 {strides = array<i32>} : memref<8x128xf32, #tpu.memory_space<vmem>>, vector<1x128xf32>,
      %swap3A_89 = arith.constant 1 : index
      %swap3A_90 = arith.constant 0 : index
      %swap3A_91 = vector.load %arg7[%swap3A_89, %swap3A_90] : memref<8x128xf32, #tpu.memory_space<vmem>>, vector<1x128xf32>
      tpu.vector_store %arg7[%swap3A_89, %swap3A_90], %while3A_56#7 {strides = array<i32>} : memref<8x128xf32, #tpu.memory_space<vmem>>, vector<1x128xf32>,
      %swap3A_92 = arith.constant 2 : index
      %swap3A_93 = arith.constant 0 : index
      %swap3A_94 = vector.load %arg7[%swap3A_92, %swap3A_93] : memref<8x128xf32, #tpu.memory_space<vmem>>, vector<1x128xf32>
      tpu.vector_store %arg7[%swap3A_92, %swap3A_93], %while3A_56#2 {strides = array<i32>} : memref<8x128xf32, #tpu.memory_space<vmem>>, vector<1x128xf32>,
    } else {
    }
    return
  }
  func.func @transform_0(%arg0: i32) -> (i32, i32) {
    %c0_i32 = arith.constant 0 : i32
    %c0_i32_0 = arith.constant 0 : i32
    return %arg0, %c0_i32 : i32, i32
  }
  func.func @transform_1(%arg0: i32) -> (i32, i32) {
    %c0_i32 = arith.constant 0 : i32
    %c0_i32_0 = arith.constant 0 : i32
    %c0_i32_1 = arith.constant 0 : i32
    return %c0_i32, %c0_i32_0 : i32, i32
  }
  func.func @transform_2(%arg0: i32) -> (i32, i32) {
    %c0_i32 = arith.constant 0 : i32
    %c0_i32_0 = arith.constant 0 : i32
    %c0_i32_1 = arith.constant 0 : i32
    return %c0_i32, %c0_i32_0 : i32, i32
  }
  func.func @transform_3(%arg0: i32) -> (i32, i32) {
    %c0_i32 = arith.constant 0 : i32
    %c0_i32_0 = arith.constant 0 : i32
    %c0_i32_1 = arith.constant 0 : i32
    return %c0_i32, %c0_i32_0 : i32, i32
  }
  func.func @transform_4(%arg0: i32) -> (i32, i32) {
    %c0_i32 = arith.constant 0 : i32
    %c0_i32_0 = arith.constant 0 : i32
    %c0_i32_1 = arith.constant 0 : i32
    return %c0_i32, %c0_i32_0 : i32, i32
  }
  func.func @transform_5(%arg0: i32) -> (i32, i32) {
    %c0_i32 = arith.constant 0 : i32
    %c0_i32_0 = arith.constant 0 : i32
    %c0_i32_1 = arith.constant 0 : i32
    return %c0_i32, %c0_i32_0 : i32, i32
  }
  func.func @transform_6(%arg0: i32) -> (i32, i32) {
    %c0_i32 = arith.constant 0 : i32
    %c0_i32_0 = arith.constant 0 : i32
    %c0_i32_1 = arith.constant 0 : i32
    return %c0_i32, %c0_i32_0 : i32, i32
  }
}

module attributes {stable_mosaic.version = 14 : i64} {
  func.func @_head_body(%arg0: i32, %arg1: memref<400x128xf32, #tpu.memory_space<vmem>>, %arg2: memref<3x128xf32, #tpu.memory_space<vmem>>, %arg3: memref<3x400x64xf32, #tpu.memory_space<vmem>>, %arg4: memref<3x400x64xf32, #tpu.memory_space<vmem>>, %arg5: memref<3x3x128xf32, #tpu.memory_space<vmem>>, %arg6: memref<3x1xf32, #tpu.memory_space<vmem>>, %arg7: memref<8x128xf32, #tpu.memory_space<vmem>>, %arg8: memref<8x128xf32, #tpu.memory_space<vmem>>) attributes {dimension_semantics = [#tpu.dimension_semantics<arbitrary>], iteration_bounds = array<i64: 25>, scalar_prefetch = 0 : i64, scratch_operands = 1 : i64, tpu.core_type = #tpu.core_type<tc>, window_params = [{transform_indices = @transform_0, window_bounds = array<i64: 400, 128>}, {pipeline_mode = #tpu.pipeline_mode<synchronous>, transform_indices = @transform_1, window_bounds = array<i64: 3, 128>}, {transform_indices = @transform_2, window_bounds = array<i64: 3, 400, 64>}, {transform_indices = @transform_3, window_bounds = array<i64: 3, 400, 64>}, {pipeline_mode = #tpu.pipeline_mode<synchronous>, transform_indices = @transform_4, window_bounds = array<i64: 3, 3, 128>}, {pipeline_mode = #tpu.pipeline_mode<synchronous>, transform_indices = @transform_5, window_bounds = array<i64: 3, 1>}, {pipeline_mode = #tpu.pipeline_mode<synchronous>, transform_indices = @transform_6, window_bounds = array<i64: 8, 128>}]} {
    %eq3A = arith.constant 0 : i32
    %eq3A_0 = arith.cmpi eq, %arg0, %eq3A : i32
    %convert_element_type3A = arith.extui %eq3A_0 : i1 to i32
    %cond3A = arith.constant 0 : i32
    %cond3A_1 = arith.cmpi ne, %convert_element_type3A, %cond3A : i32
    scf.if %cond3A_1 {
      %broadcast_in_dim3A_77 = arith.constant 0.000000e+00 : f32
      %broadcast_in_dim3A_78 = vector.broadcast %broadcast_in_dim3A_77 : f32 to vector<8x128xf32>
      %swap3A_79 = arith.constant 0 : index
      %swap3A_80 = arith.constant 0 : index
      %swap3A_81 = vector.load %arg8[%swap3A_79, %swap3A_80] : memref<8x128xf32, #tpu.memory_space<vmem>>, vector<8x128xf32>
      tpu.vector_store %arg8[%swap3A_79, %swap3A_80], %broadcast_in_dim3A_78 {strides = array<i32>} : memref<8x128xf32, #tpu.memory_space<vmem>>, vector<8x128xf32>,
    } else {
    }
    %get3A = arith.constant 0 : index
    %get3A_2 = arith.constant 0 : index
    %get3A_3 = vector.load %arg1[%get3A, %get3A_2] : memref<400x128xf32, #tpu.memory_space<vmem>>, vector<400x128xf32>
    %roll3A = arith.constant 127 : i32
    %roll3A_4 = tpu.dynamic_rotate %get3A_3 by %roll3A dim 1 : vector<400x128xf32>, i32 -> vector<400x128xf32>
    %iota3A = tpu.iota {dimensions = array<i32: 1>} : vector<400x128xi32>
    %jit3A = arith.constant 2 : i32
    %eq3A_5 = arith.constant 0 : i32
    %eq3A_6 = arith.cmpi eq, %jit3A, %eq3A_5 : i32
    %jit3A_7 = arith.constant 1 : i32
    %select_n3A = arith.select %eq3A_6, %jit3A_7, %jit3A : i32
    %rem3A = vector.broadcast %select_n3A : i32 to vector<400x128xi32>
    %rem3A_8 = arith.remsi %iota3A, %rem3A : vector<400x128xi32>
    %ne3A = arith.constant 0 : i32
    %ne3A_9 = vector.broadcast %ne3A : i32 to vector<400x128xi32>
    %ne3A_10 = arith.cmpi ne, %rem3A_8, %ne3A_9 : vector<400x128xi32>
    %lt3A = arith.constant 0 : i32
    %lt3A_11 = vector.broadcast %lt3A : i32 to vector<400x128xi32>
    %lt3A_12 = arith.cmpi slt, %rem3A_8, %lt3A_11 : vector<400x128xi32>
    %lt3A_13 = arith.constant 0 : i32
    %lt3A_14 = arith.cmpi slt, %select_n3A, %lt3A_13 : i32
    %ne3A_15 = vector.broadcast %lt3A_14 : i1 to vector<400x128xi1>
    %ne3A_16 = vector.broadcast %ne3A_15 : vector<400x128xi1> to vector<400x128xi1>
    %ne3A_17 = arith.xori %lt3A_12, %ne3A_16 : vector<400x128xi1>
    %and3A = arith.andi %ne3A_17, %ne3A_10 : vector<400x128xi1>
    %add3A = vector.broadcast %select_n3A : i32 to vector<400x128xi32>
    %add3A_18 = arith.addi %rem3A_8, %add3A : vector<400x128xi32>
    %select_n3A_19 = arith.select %and3A, %add3A_18, %rem3A_8 : vector<400x128xi1>, vector<400x128xi32>
    %eq3A_20 = arith.constant 0 : i32
    %eq3A_21 = vector.broadcast %eq3A_20 : i32 to vector<400x128xi32>
    %eq3A_22 = arith.cmpi eq, %select_n3A_19, %eq3A_21 : vector<400x128xi32>
    %iota3A_23 = tpu.iota {dimensions = array<i32: 0>} : vector<128x64xi32>
    %iota3A_24 = tpu.iota {dimensions = array<i32: 1>} : vector<128x64xi32>
    %mul3A = arith.constant 2 : i32
    %mul3A_25 = vector.broadcast %mul3A : i32 to vector<128x64xi32>
    %mul3A_26 = arith.muli %mul3A_25, %iota3A_24 : vector<128x64xi32>
    %eq3A_27 = arith.cmpi eq, %iota3A_23, %mul3A_26 : vector<128x64xi32>
    %convert_element_type3A_28 = arith.extui %eq3A_27 : vector<128x64xi1> to vector<128x64xi32>
    %convert_element_type3A_29 = arith.sitofp %convert_element_type3A_28 : vector<128x64xi32> to vector<128x64xf32>
    %max3A = arith.maximumf %get3A_3, %roll3A_4 : vector<400x128xf32>
    %add3A_30 = arith.addf %get3A_3, %roll3A_4 : vector<400x128xf32>
    %jit3A_31 = arith.constant 0.000000e+00 : f32
    %broadcast_in_dim3A = vector.broadcast %jit3A_31 : f32 to vector<400x128xf32>
    %select_n3A_32 = arith.select %eq3A_22, %max3A, %broadcast_in_dim3A : vector<400x128xi1>, vector<400x128xf32>
    %dot_general3A = arith.constant dense<0.000000e+00> : vector<400x64xf32>
    %dot_general3A_33 = tpu.matmul %select_n3A_32, %convert_element_type3A_29, %dot_general3A {dimension_numbers = #tpu.dot_dimension_numbers<[1], [0], [0], [1], [0, 0, 1, 1], [], []>, transpose_lhs_hint = false} : vector<400x128xf32>, vector<128x64xf32>, vector<400x64xf32> -> vector<400x64xf32>
    %jit3A_34 = arith.constant 0.000000e+00 : f32
    %broadcast_in_dim3A_35 = vector.broadcast %jit3A_34 : f32 to vector<400x128xf32>
    %select_n3A_36 = arith.select %eq3A_22, %add3A_30, %broadcast_in_dim3A_35 : vector<400x128xi1>, vector<400x128xf32>
    %dot_general3A_37 = arith.constant dense<0.000000e+00> : vector<400x64xf32>
    %dot_general3A_38 = tpu.matmul %select_n3A_36, %convert_element_type3A_29, %dot_general3A_37 {dimension_numbers = #tpu.dot_dimension_numbers<[1], [0], [0], [1], [0, 0, 1, 1], [], []>, transpose_lhs_hint = false} : vector<400x128xf32>, vector<128x64xf32>, vector<400x64xf32> -> vector<400x64xf32>
    %mul3A_39 = arith.constant 5.000000e-01 : f32
    %mul3A_40 = vector.broadcast %mul3A_39 : f32 to vector<400x64xf32>
    %mul3A_41 = arith.mulf %mul3A_40, %dot_general3A_38 : vector<400x64xf32>
    %get3A_42 = arith.constant 0 : index
    %get3A_43 = arith.constant 0 : index
    %get3A_44 = vector.load %arg8[%get3A_42, %get3A_43] : memref<8x128xf32, #tpu.memory_space<vmem>>, vector<3x64xf32>
    %get3A_45 = arith.constant 0 : index
    %get3A_46 = arith.constant 0 : index
    %get3A_47 = arith.constant 0 : index
    %get3A_48 = vector.load %arg3[%get3A_45, %get3A_46, %get3A_47] : memref<3x400x64xf32, #tpu.memory_space<vmem>>, vector<3x400x64xf32>
    %broadcast_in_dim3A_49 = vector.shape_cast %dot_general3A_33 : vector<400x64xf32> to vector<1x400x64xf32>
    %mul3A_50 = vector.broadcast %broadcast_in_dim3A_49 : vector<1x400x64xf32> to vector<3x400x64xf32>
    %mul3A_51 = arith.mulf %get3A_48, %mul3A_50 : vector<3x400x64xf32>
    %reduce_sum3A = arith.constant dense<0.000000e+00> : vector<3x64xf32>
    %reduce_sum3A_52 = vector.multi_reduction <add>, %mul3A_51, %reduce_sum3A [1] : vector<3x400x64xf32> to vector<3x64xf32>
    %add3A_53 = arith.addf %get3A_44, %reduce_sum3A_52 : vector<3x64xf32>
    %swap3A = arith.constant 0 : index
    %swap3A_54 = arith.constant 0 : index
    %swap3A_55 = vector.load %arg8[%swap3A, %swap3A_54] : memref<8x128xf32, #tpu.memory_space<vmem>>, vector<3x64xf32>
    tpu.vector_store %arg8[%swap3A, %swap3A_54], %add3A_53 {strides = array<i32>} : memref<8x128xf32, #tpu.memory_space<vmem>>, vector<3x64xf32>,
    %get3A_56 = arith.constant 0 : index
    %get3A_57 = arith.constant 64 : index
    %get3A_58 = vector.load %arg8[%get3A_56, %get3A_57] : memref<8x128xf32, #tpu.memory_space<vmem>>, vector<3x64xf32>
    %get3A_59 = arith.constant 0 : index
    %get3A_60 = arith.constant 0 : index
    %get3A_61 = arith.constant 0 : index
    %get3A_62 = vector.load %arg4[%get3A_59, %get3A_60, %get3A_61] : memref<3x400x64xf32, #tpu.memory_space<vmem>>, vector<3x400x64xf32>
    %broadcast_in_dim3A_63 = vector.shape_cast %mul3A_41 : vector<400x64xf32> to vector<1x400x64xf32>
    %mul3A_64 = vector.broadcast %broadcast_in_dim3A_63 : vector<1x400x64xf32> to vector<3x400x64xf32>
    %mul3A_65 = arith.mulf %get3A_62, %mul3A_64 : vector<3x400x64xf32>
    %reduce_sum3A_66 = arith.constant dense<0.000000e+00> : vector<3x64xf32>
    %reduce_sum3A_67 = vector.multi_reduction <add>, %mul3A_65, %reduce_sum3A_66 [1] : vector<3x400x64xf32> to vector<3x64xf32>
    %add3A_68 = arith.addf %get3A_58, %reduce_sum3A_67 : vector<3x64xf32>
    %swap3A_69 = arith.constant 0 : index
    %swap3A_70 = arith.constant 64 : index
    %swap3A_71 = vector.load %arg8[%swap3A_69, %swap3A_70] : memref<8x128xf32, #tpu.memory_space<vmem>>, vector<3x64xf32>
    tpu.vector_store %arg8[%swap3A_69, %swap3A_70], %add3A_68 {strides = array<i32>} : memref<8x128xf32, #tpu.memory_space<vmem>>, vector<3x64xf32>,
    %eq3A_72 = arith.constant 24 : i32
    %eq3A_73 = arith.cmpi eq, %arg0, %eq3A_72 : i32
    %convert_element_type3A_74 = arith.extui %eq3A_73 : i1 to i32
    %cond3A_75 = arith.constant 0 : i32
    %cond3A_76 = arith.cmpi ne, %convert_element_type3A_74, %cond3A_75 : i32
    scf.if %cond3A_76 {
      %get3A_77 = arith.constant 0 : index
      %get3A_78 = arith.constant 0 : index
      %get3A_79 = vector.load %arg2[%get3A_77, %get3A_78] : memref<3x128xf32, #tpu.memory_space<vmem>>, vector<3x128xf32>
      %get3A_80 = arith.constant 0 : index
      %get3A_81 = arith.constant 0 : index
      %get3A_82 = arith.constant 0 : index
      %get3A_83 = vector.load %arg5[%get3A_80, %get3A_81, %get3A_82] : memref<3x3x128xf32, #tpu.memory_space<vmem>>, vector<3x3x128xf32>
      %broadcast_in_dim3A_84 = vector.shape_cast %get3A_79 : vector<3x128xf32> to vector<1x3x128xf32>
      %mul3A_85 = vector.broadcast %broadcast_in_dim3A_84 : vector<1x3x128xf32> to vector<3x3x128xf32>
      %mul3A_86 = arith.mulf %get3A_83, %mul3A_85 : vector<3x3x128xf32>
      %reduce_sum3A_87 = arith.constant dense<0.000000e+00> : vector<3x3xf32>
      %reduce_sum3A_88 = vector.multi_reduction <add>, %mul3A_86, %reduce_sum3A_87 [2] : vector<3x3x128xf32> to vector<3x3xf32>
      %reduce_sum3A_89 = arith.constant dense<0.000000e+00> : vector<3xf32>
      %reduce_sum3A_90 = vector.multi_reduction <add>, %reduce_sum3A_88, %reduce_sum3A_89 [1] : vector<3x3xf32> to vector<3xf32>
      %broadcast_in_dim3A_91 = vector.shape_cast %reduce_sum3A_90 : vector<3xf32> to vector<3x1xf32>
      %get3A_92 = arith.constant 0 : index
      %get3A_93 = arith.constant 0 : index
      %get3A_94 = vector.load %arg8[%get3A_92, %get3A_93] : memref<8x128xf32, #tpu.memory_space<vmem>>, vector<3x128xf32>
      %reduce_sum3A_95 = arith.constant dense<0.000000e+00> : vector<3xf32>
      %reduce_sum3A_96 = vector.multi_reduction <add>, %get3A_94, %reduce_sum3A_95 [1] : vector<3x128xf32> to vector<3xf32>
      %broadcast_in_dim3A_97 = vector.shape_cast %reduce_sum3A_96 : vector<3xf32> to vector<3x1xf32>
      %add3A_98 = arith.addf %broadcast_in_dim3A_97, %broadcast_in_dim3A_91 : vector<3x1xf32>
      %get3A_99 = arith.constant 0 : index
      %get3A_100 = arith.constant 0 : index
      %get3A_101 = vector.load %arg6[%get3A_99, %get3A_100] : memref<3x1xf32, #tpu.memory_space<vmem>>, vector<3x1xf32>
      %add3A_102 = arith.addf %add3A_98, %get3A_101 : vector<3x1xf32>
      %reduce_max3A = arith.constant dense<0xFF800000> : vector<1xf32>
      %reduce_max3A_103 = vector.multi_reduction <maximumf>, %add3A_102, %reduce_max3A [0] : vector<3x1xf32> to vector<1xf32>
      %broadcast_in_dim3A_104 = vector.shape_cast %reduce_max3A_103 : vector<1xf32> to vector<1x1xf32>
      %sub3A = vector.broadcast %broadcast_in_dim3A_104 : vector<1x1xf32> to vector<3x1xf32>
      %sub3A_105 = arith.subf %add3A_102, %sub3A : vector<3x1xf32>
      %exp3A = math.exp %sub3A_105 : vector<3x1xf32>
      %reduce_sum3A_106 = arith.constant dense<0.000000e+00> : vector<1xf32>
      %reduce_sum3A_107 = vector.multi_reduction <add>, %exp3A, %reduce_sum3A_106 [0] : vector<3x1xf32> to vector<1xf32>
      %broadcast_in_dim3A_108 = vector.shape_cast %reduce_sum3A_107 : vector<1xf32> to vector<1x1xf32>
      %div3A = vector.broadcast %broadcast_in_dim3A_108 : vector<1x1xf32> to vector<3x1xf32>
      %div3A_109 = arith.divf %exp3A, %div3A : vector<3x1xf32>
      %swap3A_110 = arith.constant 0 : index
      %swap3A_111 = arith.constant 0 : index
      %swap3A_112 = vector.load %arg7[%swap3A_110, %swap3A_111] : memref<8x128xf32, #tpu.memory_space<vmem>>, vector<3x1xf32>
      tpu.vector_store %arg7[%swap3A_110, %swap3A_111], %div3A_109 {strides = array<i32>} : memref<8x128xf32, #tpu.memory_space<vmem>>, vector<3x1xf32>,
    } else {
    }
    return
  }
  func.func @transform_0(%arg0: i32) -> (i32, i32) {
    %c0_i32 = arith.constant 0 : i32
    %c0_i32_0 = arith.constant 0 : i32
    return %arg0, %c0_i32 : i32, i32
  }
  func.func @transform_1(%arg0: i32) -> (i32, i32) {
    %c0_i32 = arith.constant 0 : i32
    %c0_i32_0 = arith.constant 0 : i32
    %c0_i32_1 = arith.constant 0 : i32
    return %c0_i32, %c0_i32_0 : i32, i32
  }
  func.func @transform_2(%arg0: i32) -> (i32, i32, i32) {
    %c0_i32 = arith.constant 0 : i32
    %c0_i32_0 = arith.constant 0 : i32
    %c0_i32_1 = arith.constant 0 : i32
    return %c0_i32, %arg0, %c0_i32_0 : i32, i32, i32
  }
  func.func @transform_3(%arg0: i32) -> (i32, i32, i32) {
    %c0_i32 = arith.constant 0 : i32
    %c0_i32_0 = arith.constant 0 : i32
    %c0_i32_1 = arith.constant 0 : i32
    return %c0_i32, %arg0, %c0_i32_0 : i32, i32, i32
  }
  func.func @transform_4(%arg0: i32) -> (i32, i32, i32) {
    %c0_i32 = arith.constant 0 : i32
    %c0_i32_0 = arith.constant 0 : i32
    %c0_i32_1 = arith.constant 0 : i32
    %c0_i32_2 = arith.constant 0 : i32
    return %c0_i32, %c0_i32_0, %c0_i32_1 : i32, i32, i32
  }
  func.func @transform_5(%arg0: i32) -> (i32, i32) {
    %c0_i32 = arith.constant 0 : i32
    %c0_i32_0 = arith.constant 0 : i32
    %c0_i32_1 = arith.constant 0 : i32
    return %c0_i32, %c0_i32_0 : i32, i32
  }
  func.func @transform_6(%arg0: i32) -> (i32, i32) {
    %c0_i32 = arith.constant 0 : i32
    %c0_i32_0 = arith.constant 0 : i32
    %c0_i32_1 = arith.constant 0 : i32
    return %c0_i32, %c0_i32_0 : i32, i32
  }
}

</mosaic_0001>

<sc_bundles>
// kernel: kernel.10.cloned.1.call-start
scs
__scs_entry_jumppad:
0x0: {  	(pc) =	sbr.rel $0x88, $3  }
0x1: {  	(tag) =	ssettag $0x0;
	lr =	simm.s32 $0x1  }
0x2: {  	[smem:$0x3F93] =	sst lr;
	_ =	strace $0xD0000000  }
0x3: {  	_ = 	snop  }
0x4: {  	_ = 	snop  }
0x5: {  	_ = 	snop  }
0x6: {  	_ = 	snop  }
0x7: {  	_ = 	snop  }
__scs_overlays_trampoline_lowered:
0x8: {  	[smem:$0x3FA2] =	sst s0  }
0x9: {  	[smem:$0x3FA3] =	sst s1  }
0xa: {  	[smem:$0x3FA4] =	sst s2  }
0xb: {  	[smem:$0x3FA5] =	sst s3  }
0xc: {  	[smem:$0x3FA6] =	sst s4  }
0xd: {  	[smem:$0x3FA7] =	sst s5  }
0xe: {  	[smem:$0x3FA8] =	sst s6  }
0xf: {  	[smem:$0x3FA9] =	sst s7  }
0x10: {  	[smem:$0x3FAA] =	sst s8  }
0x11: {  	[smem:$0x3FAB] =	sst s9;
	s0 =	simm.s32 @!p0 $0x0  }
0x12: {  	s1 =	sld [smem:$0x3F91];
	s0 =	simm.s32 @p0 $0x1  }
0x13: {  	[smem:$0x3FAC] =	sst s0;
	s0 =	simm.s32 @!p1 $0x0  }
0x14: {  	s2 =	sld [smem:$0x3F90];
	s0 =	simm.s32 @p1 $0x1  }
0x15: {  	[smem:$0x3FAD] =	sst s0;
	s0 =	simm.s32 @!p2 $0x0  }
0x16: {  	s3 =	sld [smem:$0x3FDB];
	s0 =	simm.s32 @p2 $0x1  }
0x17: {  	s4 =	simm.s32 $0x1BF5;
	[smem:$0x3FAF] =	sst s0  }
0x18: {  	s0 =	sld [smem:$0x3F92];
	_ =	swait.ge [sflag:s4], $0x0  }
0x19: {  	s7 =	sld [smem:$0x3F93]  }
0x1a: {  	s8 =	sadd.s32 $0xFFFFE003, lr  }
0x1b: {  	s9 =	sadd.s32 $0xFFFFFEF7, lr;
	s5 =	simm.s32 $0xFFFFFFFF;
	p2 =	slt.u32 s8, $0xFFFFF086  }
0x1c: {  	p1 =	slt.u32 s9, $0xF7A;
	s5 =	simm.s32 @!p2 $0x0  }
0x1d: {  	s5 =	simm.s32 @p1 $0x1;
	p0 =	seq.s32 s7, s2  }
0x1e: {  	s7 =	smul.u32 @!p0 $0xF7A, s2;
	p2 =	seq.s32 @!p0 s5, $0x0  }
0x1f: {  	s9 =	smul.u32 $0xF7A, s1;
	s8 =	simm.s32 @!p0 $0x1BF5;
	p2 =	por !p2, p0  }
0x20: {  	[sflag:s8] =	ssyncset.s32 @!p0 $0xFFFFF086;
	s6 =	sadd.s32 @!p0 s3, s7;
	s7 =	simm.s32 @!p0 $0x108  }
0x21: {  	s3 =	sadd.s32 s3, s9;
	s6 =	sadd.s32 @!p0 $0x88, s6;
	s7 =	simm.s32 @p2 $0x1082  }
0x22: {  	[simem:s7], [sflag:s8] =	dma.local @!p0 [hbm:s6], $0xF7A  }
0x23: {  	s9 =	sor.u32 $0xD0000000, s2;
	s6 =	simm.s32 $0x108;
	_ =	swait.ge @!p0 [sflag:s8], $0x0  }
0x24: {  	s3 =	sadd.s32 $0x88, s3;
	s6 =	simm.s32 @!p1 $0x1082;
	[sflag:s4] =	ssyncset.s32 $0xFFFFF086  }
0x25: {  	[simem:s6], [sflag:s4] =	dma.local [hbm:s3], $0xF7A  }
0x26: {  	[smem:$0x3F93] =	sst s1;
	(tag) =	ssettag s2;
	_ =	strace s9  }
0x27: {  	s1 =	sld [smem:$0x3FA3]  }
0x28: {  	s2 =	sld [smem:$0x3FA4]  }
0x29: {  	s4 =	sld [smem:$0x3FA6]  }
0x2a: {  	p0 =	seq.s32 s5, $0x0;
	s5 =	sld [smem:$0x3FA7]  }
0x2b: {  	s6 =	sld [smem:$0x3FA8]  }
0x2c: {  	s7 =	sld [smem:$0x3FA9]  }
0x2d: {  	s3 =	simm.s32 $0x108;
	s8 =	sld [smem:$0x3FAA]  }
0x2e: {  	s3 =	simm.s32 @!p0 $0x1082;
	s9 =	sld [smem:$0x3FAB]  }
0x2f: {  	lr =	sadd.s32 s0, s3;
	s0 =	sld [smem:$0x3FA2]  }
0x30: {  	s3 =	sld [smem:$0x3FA5]  }
0x31: {  	[smem:$0x3FAE] =	sst s10  }
0x32: {  	s10 =	sld [smem:$0x3FAC];
	_ =	sdelay $0x3  }
0x33: {  	p0 =	seq.s32 s10, $0x1;
	s10 =	sld [smem:$0x3FAE];
	_ =	sdelay $0x3  }
0x34: {  	[smem:$0x3FAE] =	sst s10  }
0x35: {  	s10 =	sld [smem:$0x3FAD];
	_ =	sdelay $0x3  }
0x36: {  	p1 =	seq.s32 s10, $0x1;
	s10 =	sld [smem:$0x3FAE];
	_ =	sdelay $0x3  }
0x37: {  	[smem:$0x3FAE] =	sst s10  }
0x38: {  	s10 =	sld [smem:$0x3FAF]  }
0x39: {  	_ = 	snop;
	(pc) =	sbr.ind lr, $3  }
0x3a: {  	_ = 	snop  }
0x3b: {  	_ = 	snop  }
0x3c: {  	p2 =	seq.s32 s10, $0x1;
	s10 =	sld [smem:$0x3FAE]  }
0x3d: {  	_ =	shalt  }
0x3e: {  	_ =	shalt  }
0x3f: {  	_ =	shalt  }
0x40: {  	_ =	shalt  }
0x41: {  	_ =	shalt  }
0x42: {  	_ =	shalt  }
0x43: {  	_ =	shalt  }
0x44: {  	_ =	shalt  }
0x45: {  	_ =	shalt  }
0x46: {  	_ =	shalt  }
0x47: {  	_ =	shalt  }
0x48: {  	_ =	shalt  }
0x49: {  	_ =	shalt  }
0x4a: {  	_ =	shalt  }
0x4b: {  	_ =	shalt  }
0x4c: {  	_ =	shalt  }
0x4d: {  	_ =	shalt  }
0x4e: {  	_ =	shalt  }
0x4f: {  	_ =	shalt  }
0x50: {  	_ =	shalt  }
0x51: {  	_ =	shalt  }
0x52: {  	_ =	shalt  }
0x53: {  	_ =	shalt  }
0x54: {  	_ =	shalt  }
0x55: {  	_ =	shalt  }
0x56: {  	_ =	shalt  }
0x57: {  	_ =	shalt  }
0x58: {  	_ =	shalt  }
0x59: {  	_ =	shalt  }
0x5a: {  	_ =	shalt  }
0x5b: {  	_ =	shalt  }
0x5c: {  	_ =	shalt  }
0x5d: {  	_ =	shalt  }
0x5e: {  	_ =	shalt  }
0x5f: {  	_ =	shalt  }
0x60: {  	_ =	shalt  }
0x61: {  	_ =	shalt  }
0x62: {  	_ =	shalt  }
0x63: {  	_ =	shalt  }
0x64: {  	_ =	shalt  }
0x65: {  	_ =	shalt  }
0x66: {  	_ =	shalt  }
0x67: {  	_ =	shalt  }
0x68: {  	_ =	shalt  }
0x69: {  	_ =	shalt  }
0x6a: {  	_ =	shalt  }
0x6b: {  	_ =	shalt  }
0x6c: {  	_ =	shalt  }
0x6d: {  	_ =	shalt  }
0x6e: {  	_ =	shalt  }
0x6f: {  	_ =	shalt  }
0x70: {  	_ =	shalt  }
0x71: {  	_ =	shalt  }
0x72: {  	_ =	shalt  }
0x73: {  	_ =	shalt  }
0x74: {  	_ =	shalt  }
0x75: {  	_ =	shalt  }
0x76: {  	_ =	shalt  }
0x77: {  	_ =	shalt  }
0x78: {  	_ =	shalt  }
0x79: {  	_ =	shalt  }
0x7a: {  	_ =	shalt  }
0x7b: {  	_ =	shalt  }
0x7c: {  	_ =	shalt  }
0x7d: {  	_ =	shalt  }
0x7e: {  	_ =	shalt  }
0x7f: {  	_ =	shalt  }
0x80: {  	_ =	shalt  }
0x81: {  	_ =	shalt  }
0x82: {  	_ =	shalt  }
0x83: {  	_ =	shalt  }
0x84: {  	_ =	shalt  }
0x85: {  	_ =	shalt  }
0x86: {  	_ =	shalt  }
0x87: {  	_ =	shalt  }
.Lfunc_end0:
.L_simem_size_0:
called_computation_lowered:
.L_overlay_start_0:
0x88: {  	s2 =	sld [smem:$0x3FD9]  }
0x89: {  	s3 =	sld [smem:$0x3FFE];
	_ =	sdelay $0x1  }
0x8a: {  	s1 =	srdreg.scid  }
0x8b: {  	s0 =	sand.u32 $0x1, s1  }
0x8c: {  	s16 =	sshll.u32 s0, $0xA;
	s2 =	sadd.s32 s3, s2  }
0x8d: {  	s2 =	sadd.s32 s2, s16  }
0x8e: {  	[smem:$0x3FBA] =	sst s2  }
0x8f: {  	_ = 	snop  }
0x90: {  	(tm) =	ssettm $0x1  }
0x91: {  	s17 =	sld [smem:$0x3FFB];
	_ =	sdelay $0x3  }
0x92: {  	_ =	strace s17  }
0x93: {  	s2 =	sld [smem:$0x3FFC];
	_ =	sdelay $0x3  }
0x94: {  	_ =	strace s2  }
0x95: {  	s2 =	sld [smem:$0x3FFD];
	_ =	sdelay $0x3  }
0x96: {  	_ =	strace s2  }
0x97: {  	_ =	strace $0x8FFFFFFF  }
0x98: {  	s18 =	sld [smem:$0x3FDB];
	_ =	sdelay $0x1  }
0x99: {  	s19 =	simm.s32 $_scs_section_size  }
0x9a: {  	s4 =	simm.s32 $_size__tile_overlayer_lowered;
	s5 =	simm.s32 $_tile_overlayer_lowered  }
0x9b: {  	s22 =	simm.s32 $0x1BFF;
	s21 =	sshll.u32 s5, $0x1;
	s2 =	sadd.s32 s19, s18  }
0x9c: {  	s6 =	simm.s32 $0x0;
	s20 =	sshll.u32 s4, $0x1;
	s4 =	sadd.s32 s21, s2  }
0x9d: {  	[timem:s6], [sflag:s22] =	dma.local [hbm:s4], s20  }
0x9e: {  	_ =	swait.ge [sflag:s22], s20  }
0x9f: {  	s3 =	ssub.s32 $0x0, s20;
	[sflag:s22] =	ssyncset.done $0x0  }
0xa0: {  	[sflag:s22] =	ssyncadd.s32 s3;
	_ =	sdelay $0x1  }
0xa1: {  	s23 =	simm.s32 $0x1B8B  }
0xa2: {  	_ =	swait.ge [sflag:s23], $0x1  }
0xa3: {  	[sflag:s23] =	ssyncset.done $0x0  }
0xa4: {  	s25 =	simm.s32 $0x1B8E;
	s24 =	sld [smem:$0x3FFE];
	[sflag:s23] =	ssyncadd.s32 $0xFFFFFFFF  }
0xa5: {  	s26 =	simm.s32 $execute0_lowered;
	[smem:$0x3FD2] =	sst s25  }
0xa6: {  	s4 =	sshll.u32 s26, $0x1;
	_ =	strace $0x80000046;
	[dreg:$0x1] =	wrdreg $0xFFFFFFFF  }
0xa7: {  	s28 =	simm.s32 $_size_execute0_lowered;
	s2 =	sadd.s32 s2, s4;
	[dreg:$0x0] =	wrdreg $0x0  }
0xa8: {  	s4 =	sshll.u32 s28, $0x1;
	[dreg:$0x2] =	wrdreg s2  }
0xa9: {  	[dreg:$0x3] =	wrdreg s4  }
0xaa: {  	[dreg:$0x4] =	wrdreg $0xC0  }
0xab: {  	_ =	task [dreg:s6], $0x5FFFF  }
0xac: {  	[dreg:$0x1] =	wrdreg $0xFFFFFFFF  }
0xad: {  	[dreg:$0x0] =	wrdreg $0x60  }
0xae: {  	[dreg:$0x2] =	wrdreg s24  }
0xaf: {  	[dreg:$0x3] =	wrdreg $0x9  }
0xb0: {  	_ =	task.clear_ibuf [dreg:s6], $0x4FFFF;
	_ =	strace $0x90000046  }
0xb1: {  	s29 =	simm.s32 $0x9;
	_ =	strace $0x80000048  }
0xb2: {  	_ =	swait.ge [sflag:s29], $0x1  }
0xb3: {  	[sflag:s29] =	ssyncadd.s32 $0xFFFFFFFF  }
0xb4: {  	_ =	strace $0x90000048  }
0xb5: {  	_ =	sfence  }
0xb6: {  	s30 =	sld [smem:$0x0];
	_ =	sdelay $0x2  }
0xb7: {  	s31 =	sshll.u32 s1, $0xD;
	s1 =	sshrl.u32 s1, $0x2  }
0xb8: {  	s3 =	sand.u32 $0x4000, s31;
	s1 =	sadd.s32 s1, s30  }
0xb9: {  	s0 =	sor.u32 s3, s0;
	s1 =	sshll.u32 s1, $0x11  }
0xba: {  	s0 =	sor.u32 s1, s0  }
0xbb: {  	s0 =	sadd.s32 $0x8F2B, s0  }
0xbc: {  	[sflag:s0] =	ssyncadd.remote.s32 $0x1  }
0xbd: {  	_ =	sfence.sel $0xFFFF  }
0xbe: {  	[dreg:$0x0] =	wrdreg $0xFFFFFFFF;
	(pc) =	sbr.abs _section_cstart, $3  }
0xbf: {  	[dreg:$0x1] =	wrdreg $0xFFFFFFFF  }
0xc0: {  	_ =	task.clear_ibuf [dreg:s6], $0x2FFFF;
	_ =	strace $0x9FFFFFFF  }
0xc1: {  	(tm) =	ssettm $0x7FFFFFFF  }
tec
execute0_lowered:
.L_overlay_start_1:
0x0: {  	(tag) =	ssettag $0x1  }
0x1: {  	s0 =	srdreg.scid  }
0x2: {  	s4 =	rddreg [dreg:$0x0];
	s2 =	simm.s32 $0x0;
	s10 =	simm.s32 $0x1  }
0x3: {  	s11 =	simm.s32 $0x800;
	s12 =	simm.s32 $0x80;
	s3 =	sand.u32 $0x1, s0  }
0x4: {  	s13 =	simm.s32 $0x400;
	s0 =	stileid.u32;
	s1 =	sshll.u32 s3, $0x4  }
0x5: {  	[smem:$0x7FF] =	sst s2;
	s7 =	sshll.u32 s0, $0x7;
	s5 =	sor.u32 s0, s1  }
0x6: {  	s3 =	ssub.s32 $0x2, s3;
	s6 =	sshrl.u32 s5, $0x3;
	s5 =	smul.u32 $0x2710, s5  }
0x7: {  	s1 =	rddreg [dreg:$0x1];
	s7 =	sand.u32 $0x380, s7;
	s6 =	smul.u32 $0x13C00, s6  }
0x8: {  	_ =	strace $0x80000047;
	s31 =	sshrl.u32 s3, $0x1;
	s5 =	sshrl.u32 s5, $0x3  }
0x9: {  	s6 =	sor.u32 s7, s6;
	s7 =	ssub.s32 s3, s31;
	s9 =	sadd.s32 s5, s4  }
0xa: {  	s6 =	sshrl.u32 s6, $0x3;
	s5 =	sadd.s32 $0x4800, s9;
	s8 =	sadd.s32 $0x4AEE, s9  }
0xb: {  	s6 =	sadd.s32 s6, s4;
	s4 =	smax.u32 s7, $0x1;
	s7 =	sadd.s32 $0x49F4, s9  }
0xc: {  	v0 =	vimm.f32 $0.0e+00;
	v1 =	vimm.f32 $1.000000000e+00;
	s3 =	sadd.s32 $0x18400, s6;
	s6 =	sadd.s32 $0x48FA, s9;
	s9 =	sadd.s32 $0x4BE8, s9  }
.LBB2_1:
0xd: {  	s14 =	simm.s32 $0x40;
	s15 =	simm.s32 $0x0  }
.LBB2_2:
0xe: {  	p0 =	sne.s32 s14, $0x9C00;
	[tilespmem:s15+$0x800] =	vst v0;
	s15 =	smov.u32 s14;
	s14 =	sadd.s32 $0x40, s14  }
.Ltmp0:
0xf: {  	(pc) =	sbr.rel @p0 .LBB2_2-.Ltmp0, $2  }
0x10: {  	_ =	sdelay $0x2  }
0x11: {  	s15 =	sshra.s32 s15, $0x2  }
0x12: {  	[tilespmem:s15+$0x800] =	vst v0;
	s14 =	simm.s32 $0x0  }
0x13: {  	[tilespmem:s14], [sflag:$0x1] =	stream.linear.gather [hbm4b:s5+s14], $0x7D0, $0x38;
	[tilespmem:$0x2F80] =	vst v63  }
0x14: {  	_ =	swait.ge [sflag:s10], $0x7D0  }
0x15: {  	[sflag:s10] =	ssyncset.done $0x0  }
0x16: {  	s15 =	simm.s32 $0x0;
	s14 =	simm.s32 $0x40;
	[sflag:s10] =	ssyncadd.s32 $0xFFFFF830  }
.LBB2_4:
0x17: {  	p0 =	sne.s32 s14, $0x1F00;
	v2 =	vld [tilespmem:s15+$0x0];
	_ =	sdelay $0x3  }
.Ltmp1:
0x18: {  	(pc) =	sbr.rel @p0 .LBB2_4-.Ltmp1, $2  }
0x19: {  	_ =	sdelay $0x2  }
0x1a: {  	s15 =	sshra.s32 s14, $0x2;
	s14 =	sadd.s32 $0x40, s14;
	[tilespmem:v2+s11+$0x0] =	vst.idx.add.f32.msk $0xffff, v1  }
0x1b: {  	v2 =	vld [tilespmem:s15+$0x0];
	_ =	sdelay $0x7  }
0x1c: {  	s14 =	simm.s32 $0x0;
	[tilespmem:v2+s11+$0x0] =	vst.idx.add.f32.msk $0xffff, v1  }
0x1d: {  	[tilespmem:s14], [sflag:$0x1] =	stream.linear.gather [hbm4b:s6+s14], $0x7D0, $0x38;
	[tilespmem:$0x2F80] =	vst v63  }
0x1e: {  	_ =	swait.ge [sflag:s10], $0x7D0  }
0x1f: {  	[sflag:s10] =	ssyncset.done $0x0  }
0x20: {  	s15 =	simm.s32 $0x0;
	s14 =	simm.s32 $0x40;
	[sflag:s10] =	ssyncadd.s32 $0xFFFFF830  }
.LBB2_6:
0x21: {  	p0 =	sne.s32 s14, $0x1F00;
	v2 =	vld [tilespmem:s15+$0x0];
	_ =	sdelay $0x3  }
.Ltmp2:
0x22: {  	(pc) =	sbr.rel @p0 .LBB2_6-.Ltmp2, $2  }
0x23: {  	_ =	sdelay $0x2  }
0x24: {  	s15 =	sshra.s32 s14, $0x2;
	s14 =	sadd.s32 $0x40, s14;
	[tilespmem:v2+s11+$0x0] =	vst.idx.add.f32.msk $0xffff, v1  }
0x25: {  	v2 =	vld [tilespmem:s15+$0x0];
	_ =	sdelay $0x7  }
0x26: {  	s14 =	simm.s32 $0x0;
	[tilespmem:v2+s11+$0x0] =	vst.idx.add.f32.msk $0xffff, v1  }
0x27: {  	[tilespmem:s14], [sflag:$0x1] =	stream.linear.gather [hbm4b:s7+s14], $0x7D0, $0x38;
	[tilespmem:$0x2F80] =	vst v63  }
0x28: {  	_ =	swait.ge [sflag:s10], $0x7D0  }
0x29: {  	[sflag:s10] =	ssyncset.done $0x0  }
0x2a: {  	s15 =	simm.s32 $0x0;
	s14 =	simm.s32 $0x40;
	[sflag:s10] =	ssyncadd.s32 $0xFFFFF830  }
.LBB2_8:
0x2b: {  	p0 =	sne.s32 s14, $0x1F00;
	v2 =	vld [tilespmem:s15+$0x0];
	_ =	sdelay $0x3  }
.Ltmp3:
0x2c: {  	(pc) =	sbr.rel @p0 .LBB2_8-.Ltmp3, $2  }
0x2d: {  	_ =	sdelay $0x2  }
0x2e: {  	s15 =	sshra.s32 s14, $0x2;
	s14 =	sadd.s32 $0x40, s14;
	[tilespmem:v2+s11+$0x0] =	vst.idx.add.f32.msk $0xffff, v1  }
0x2f: {  	v2 =	vld [tilespmem:s15+$0x0];
	_ =	sdelay $0x7  }
0x30: {  	s14 =	simm.s32 $0x0;
	[tilespmem:v2+s11+$0x0] =	vst.idx.add.f32.msk $0xffff, v1  }
0x31: {  	[tilespmem:s14], [sflag:$0x1] =	stream.linear.gather [hbm4b:s8+s14], $0x7D0, $0x38;
	[tilespmem:$0x2F80] =	vst v63  }
0x32: {  	_ =	swait.ge [sflag:s10], $0x7D0  }
0x33: {  	[sflag:s10] =	ssyncset.done $0x0  }
0x34: {  	s15 =	simm.s32 $0x0;
	s14 =	simm.s32 $0x40;
	[sflag:s10] =	ssyncadd.s32 $0xFFFFF830  }
.LBB2_10:
0x35: {  	p0 =	sne.s32 s14, $0x1F00;
	v2 =	vld [tilespmem:s15+$0x0];
	_ =	sdelay $0x3  }
.Ltmp4:
0x36: {  	(pc) =	sbr.rel @p0 .LBB2_10-.Ltmp4, $2  }
0x37: {  	_ =	sdelay $0x2  }
0x38: {  	s15 =	sshra.s32 s14, $0x2;
	s14 =	sadd.s32 $0x40, s14;
	[tilespmem:v2+s11+$0x0] =	vst.idx.add.f32.msk $0xffff, v1  }
0x39: {  	v2 =	vld [tilespmem:s15+$0x0];
	_ =	sdelay $0x7  }
0x3a: {  	s14 =	simm.s32 $0x0;
	[tilespmem:v2+s11+$0x0] =	vst.idx.add.f32.msk $0xffff, v1  }
0x3b: {  	[tilespmem:s14], [sflag:$0x1] =	stream.linear.gather [hbm4b:s9+s14], $0x7D0, $0x38;
	[tilespmem:$0x2F80] =	vst v63  }
0x3c: {  	_ =	swait.ge [sflag:s10], $0x7D0  }
0x3d: {  	[sflag:s10] =	ssyncset.done $0x0  }
0x3e: {  	s15 =	simm.s32 $0x0;
	s14 =	simm.s32 $0x40;
	[sflag:s10] =	ssyncadd.s32 $0xFFFFF830  }
.LBB2_12:
0x3f: {  	p0 =	sne.s32 s14, $0x1F00;
	v2 =	vld [tilespmem:s15+$0x0];
	_ =	sdelay $0x3  }
.Ltmp5:
0x40: {  	(pc) =	sbr.rel @p0 .LBB2_12-.Ltmp5, $2  }
0x41: {  	_ =	sdelay $0x2  }
0x42: {  	s15 =	sshra.s32 s14, $0x2;
	s14 =	sadd.s32 $0x40, s14;
	[tilespmem:v2+s11+$0x0] =	vst.idx.add.f32.msk $0xffff, v1  }
0x43: {  	v2 =	vld [tilespmem:s15+$0x0];
	_ =	sdelay $0x5  }
0x44: {  	s2 =	sadd.s32 $0x1, s2  }
0x45: {  	p0 =	sne.s32 s2, s4  }
.Ltmp6:
0x46: {  	[tilespmem:v2+s11+$0x0] =	vst.idx.add.f32.msk $0xffff, v1;
	(pc) =	sbr.rel @p0 .LBB2_1-.Ltmp6, $4  }
0x47: {  	[hbm4b:s3+s12] =	stream.strided.scatter [tilespmem:s11], [sflag:$0x1], $0x2780, s13, s12, $0x38;
	[tilespmem:$0x2F80] =	vst v63  }
0x48: {  	_ =	swait.ge [sflag:s10], $0x2780  }
0x49: {  	[sflag:s10] =	ssyncset.done $0x0  }
0x4a: {  	[sflag:s10] =	ssyncadd.s32 $0xFFFFD880  }
0x4b: {  	_ =	sfence.sel $0x180000  }
0x4c: {  	[bflag:$0x0] =	sbarrier.arrive $0xFFFF  }
0x4d: {  	p0 =	sne.s32 s0, $0x0;
	_ =	strace $0x90000047  }
0x4e: {  	s0 =	sadd.s32 @!p0 $0x100000, s1;
	[bflag:$0x2] =	sbarrier.arrive $0xFFFF  }
0x4f: {  	[sflag:s0] =	ssyncadd.tile.s32 @!p0 $0x1;
	_ =	shalt  }
.Lfunc_end2:
_tile_overlayer_lowered:
.L_overlay_start_2:
0x50: {  	(tag) =	ssettag $0x2  }
0x51: {  	s0 =	rddreg [dreg:$0x0];
	s2 =	stileid.u32  }
0x52: {  	s1 =	rddreg [dreg:$0x1];
	p0 =	sne.s32 s2, $0x0  }
0x53: {  	s3 =	rddreg [dreg:$0x2];
	[bflag:$0x3] =	sbarrier.arrive $0xFFFF;
	s2 =	simm.s32 @!p0 $0x1C01  }
0x54: {  	[timem:s3], [sflag:s2] =	dma.local @!p0 [hbm:s0], s1  }
0x55: {  	s0 =	simm.s32 @!p0 $0x1  }
0x56: {  	_ =	swait.ge @!p0 [sflag:s0], s1  }
0x57: {  	s1 =	ssub.s32 @!p0 $0x0, s1;
	[sflag:s0] =	ssyncset.done @!p0 $0x0  }
0x58: {  	[sflag:s0] =	ssyncadd.s32 @!p0 s1  }
0x59: {  	[bflag:$0x3] =	sbarrier.arrive $0xFFFF  }
0x5a: {  	_ =	shalt  }

// kernel: kernel.13.cloned.1.call-start
scs
__scs_entry_jumppad:
0x0: {  	(pc) =	sbr.rel $0x88, $3  }
0x1: {  	(tag) =	ssettag $0x0;
	lr =	simm.s32 $0x1  }
0x2: {  	[smem:$0x3F93] =	sst lr;
	_ =	strace $0xD0000000  }
0x3: {  	_ = 	snop  }
0x4: {  	_ = 	snop  }
0x5: {  	_ = 	snop  }
0x6: {  	_ = 	snop  }
0x7: {  	_ = 	snop  }
__scs_overlays_trampoline_lowered:
0x8: {  	[smem:$0x3FA2] =	sst s0  }
0x9: {  	[smem:$0x3FA3] =	sst s1  }
0xa: {  	[smem:$0x3FA4] =	sst s2  }
0xb: {  	[smem:$0x3FA5] =	sst s3  }
0xc: {  	[smem:$0x3FA6] =	sst s4  }
0xd: {  	[smem:$0x3FA7] =	sst s5  }
0xe: {  	[smem:$0x3FA8] =	sst s6  }
0xf: {  	[smem:$0x3FA9] =	sst s7  }
0x10: {  	[smem:$0x3FAA] =	sst s8  }
0x11: {  	[smem:$0x3FAB] =	sst s9;
	s0 =	simm.s32 @!p0 $0x0  }
0x12: {  	s1 =	sld [smem:$0x3F91];
	s0 =	simm.s32 @p0 $0x1  }
0x13: {  	[smem:$0x3FAC] =	sst s0;
	s0 =	simm.s32 @!p1 $0x0  }
0x14: {  	s2 =	sld [smem:$0x3F90];
	s0 =	simm.s32 @p1 $0x1  }
0x15: {  	[smem:$0x3FAD] =	sst s0;
	s0 =	simm.s32 @!p2 $0x0  }
0x16: {  	s3 =	sld [smem:$0x3FDB];
	s0 =	simm.s32 @p2 $0x1  }
0x17: {  	s4 =	simm.s32 $0x1BF5;
	[smem:$0x3FAF] =	sst s0  }
0x18: {  	s0 =	sld [smem:$0x3F92];
	_ =	swait.ge [sflag:s4], $0x0  }
0x19: {  	s7 =	sld [smem:$0x3F93]  }
0x1a: {  	s8 =	sadd.s32 $0xFFFFE003, lr  }
0x1b: {  	s9 =	sadd.s32 $0xFFFFFEF7, lr;
	s5 =	simm.s32 $0xFFFFFFFF;
	p2 =	slt.u32 s8, $0xFFFFF086  }
0x1c: {  	p1 =	slt.u32 s9, $0xF7A;
	s5 =	simm.s32 @!p2 $0x0  }
0x1d: {  	s5 =	simm.s32 @p1 $0x1;
	p0 =	seq.s32 s7, s2  }
0x1e: {  	s7 =	smul.u32 @!p0 $0xF7A, s2;
	p2 =	seq.s32 @!p0 s5, $0x0  }
0x1f: {  	s9 =	smul.u32 $0xF7A, s1;
	s8 =	simm.s32 @!p0 $0x1BF5;
	p2 =	por !p2, p0  }
0x20: {  	[sflag:s8] =	ssyncset.s32 @!p0 $0xFFFFF086;
	s6 =	sadd.s32 @!p0 s3, s7;
	s7 =	simm.s32 @!p0 $0x108  }
0x21: {  	s3 =	sadd.s32 s3, s9;
	s6 =	sadd.s32 @!p0 $0x88, s6;
	s7 =	simm.s32 @p2 $0x1082  }
0x22: {  	[simem:s7], [sflag:s8] =	dma.local @!p0 [hbm:s6], $0xF7A  }
0x23: {  	s9 =	sor.u32 $0xD0000000, s2;
	s6 =	simm.s32 $0x108;
	_ =	swait.ge @!p0 [sflag:s8], $0x0  }
0x24: {  	s3 =	sadd.s32 $0x88, s3;
	s6 =	simm.s32 @!p1 $0x1082;
	[sflag:s4] =	ssyncset.s32 $0xFFFFF086  }
0x25: {  	[simem:s6], [sflag:s4] =	dma.local [hbm:s3], $0xF7A  }
0x26: {  	[smem:$0x3F93] =	sst s1;
	(tag) =	ssettag s2;
	_ =	strace s9  }
0x27: {  	s1 =	sld [smem:$0x3FA3]  }
0x28: {  	s2 =	sld [smem:$0x3FA4]  }
0x29: {  	s4 =	sld [smem:$0x3FA6]  }
0x2a: {  	p0 =	seq.s32 s5, $0x0;
	s5 =	sld [smem:$0x3FA7]  }
0x2b: {  	s6 =	sld [smem:$0x3FA8]  }
0x2c: {  	s7 =	sld [smem:$0x3FA9]  }
0x2d: {  	s3 =	simm.s32 $0x108;
	s8 =	sld [smem:$0x3FAA]  }
0x2e: {  	s3 =	simm.s32 @!p0 $0x1082;
	s9 =	sld [smem:$0x3FAB]  }
0x2f: {  	lr =	sadd.s32 s0, s3;
	s0 =	sld [smem:$0x3FA2]  }
0x30: {  	s3 =	sld [smem:$0x3FA5]  }
0x31: {  	[smem:$0x3FAE] =	sst s10  }
0x32: {  	s10 =	sld [smem:$0x3FAC];
	_ =	sdelay $0x3  }
0x33: {  	p0 =	seq.s32 s10, $0x1;
	s10 =	sld [smem:$0x3FAE];
	_ =	sdelay $0x3  }
0x34: {  	[smem:$0x3FAE] =	sst s10  }
0x35: {  	s10 =	sld [smem:$0x3FAD];
	_ =	sdelay $0x3  }
0x36: {  	p1 =	seq.s32 s10, $0x1;
	s10 =	sld [smem:$0x3FAE];
	_ =	sdelay $0x3  }
0x37: {  	[smem:$0x3FAE] =	sst s10  }
0x38: {  	s10 =	sld [smem:$0x3FAF]  }
0x39: {  	_ = 	snop;
	(pc) =	sbr.ind lr, $3  }
0x3a: {  	_ = 	snop  }
0x3b: {  	_ = 	snop  }
0x3c: {  	p2 =	seq.s32 s10, $0x1;
	s10 =	sld [smem:$0x3FAE]  }
0x3d: {  	_ =	shalt  }
0x3e: {  	_ =	shalt  }
0x3f: {  	_ =	shalt  }
0x40: {  	_ =	shalt  }
0x41: {  	_ =	shalt  }
0x42: {  	_ =	shalt  }
0x43: {  	_ =	shalt  }
0x44: {  	_ =	shalt  }
0x45: {  	_ =	shalt  }
0x46: {  	_ =	shalt  }
0x47: {  	_ =	shalt  }
0x48: {  	_ =	shalt  }
0x49: {  	_ =	shalt  }
0x4a: {  	_ =	shalt  }
0x4b: {  	_ =	shalt  }
0x4c: {  	_ =	shalt  }
0x4d: {  	_ =	shalt  }
0x4e: {  	_ =	shalt  }
0x4f: {  	_ =	shalt  }
0x50: {  	_ =	shalt  }
0x51: {  	_ =	shalt  }
0x52: {  	_ =	shalt  }
0x53: {  	_ =	shalt  }
0x54: {  	_ =	shalt  }
0x55: {  	_ =	shalt  }
0x56: {  	_ =	shalt  }
0x57: {  	_ =	shalt  }
0x58: {  	_ =	shalt  }
0x59: {  	_ =	shalt  }
0x5a: {  	_ =	shalt  }
0x5b: {  	_ =	shalt  }
0x5c: {  	_ =	shalt  }
0x5d: {  	_ =	shalt  }
0x5e: {  	_ =	shalt  }
0x5f: {  	_ =	shalt  }
0x60: {  	_ =	shalt  }
0x61: {  	_ =	shalt  }
0x62: {  	_ =	shalt  }
0x63: {  	_ =	shalt  }
0x64: {  	_ =	shalt  }
0x65: {  	_ =	shalt  }
0x66: {  	_ =	shalt  }
0x67: {  	_ =	shalt  }
0x68: {  	_ =	shalt  }
0x69: {  	_ =	shalt  }
0x6a: {  	_ =	shalt  }
0x6b: {  	_ =	shalt  }
0x6c: {  	_ =	shalt  }
0x6d: {  	_ =	shalt  }
0x6e: {  	_ =	shalt  }
0x6f: {  	_ =	shalt  }
0x70: {  	_ =	shalt  }
0x71: {  	_ =	shalt  }
0x72: {  	_ =	shalt  }
0x73: {  	_ =	shalt  }
0x74: {  	_ =	shalt  }
0x75: {  	_ =	shalt  }
0x76: {  	_ =	shalt  }
0x77: {  	_ =	shalt  }
0x78: {  	_ =	shalt  }
0x79: {  	_ =	shalt  }
0x7a: {  	_ =	shalt  }
0x7b: {  	_ =	shalt  }
0x7c: {  	_ =	shalt  }
0x7d: {  	_ =	shalt  }
0x7e: {  	_ =	shalt  }
0x7f: {  	_ =	shalt  }
0x80: {  	_ =	shalt  }
0x81: {  	_ =	shalt  }
0x82: {  	_ =	shalt  }
0x83: {  	_ =	shalt  }
0x84: {  	_ =	shalt  }
0x85: {  	_ =	shalt  }
0x86: {  	_ =	shalt  }
0x87: {  	_ =	shalt  }
.Lfunc_end0:
.L_simem_size_0:
called_computation.1_lowered:
.L_overlay_start_0:
0x88: {  	s2 =	sld [smem:$0x3FD9]  }
0x89: {  	s3 =	sld [smem:$0x3FFE];
	_ =	sdelay $0x1  }
0x8a: {  	s1 =	srdreg.scid  }
0x8b: {  	s0 =	sand.u32 $0x1, s1  }
0x8c: {  	s16 =	sshll.u32 s0, $0xA;
	s2 =	sadd.s32 s3, s2  }
0x8d: {  	s2 =	sadd.s32 s2, s16  }
0x8e: {  	[smem:$0x3FBA] =	sst s2  }
0x8f: {  	_ = 	snop  }
0x90: {  	(tm) =	ssettm $0x1  }
0x91: {  	s17 =	sld [smem:$0x3FFB];
	_ =	sdelay $0x3  }
0x92: {  	_ =	strace s17  }
0x93: {  	s2 =	sld [smem:$0x3FFC];
	_ =	sdelay $0x3  }
0x94: {  	_ =	strace s2  }
0x95: {  	s2 =	sld [smem:$0x3FFD];
	_ =	sdelay $0x3  }
0x96: {  	_ =	strace s2  }
0x97: {  	_ =	strace $0x8FFFFFFF  }
0x98: {  	s18 =	sld [smem:$0x3FDB];
	_ =	sdelay $0x1  }
0x99: {  	s19 =	simm.s32 $_scs_section_size  }
0x9a: {  	s4 =	simm.s32 $_size__tile_overlayer_lowered;
	s5 =	simm.s32 $_tile_overlayer_lowered  }
0x9b: {  	s22 =	simm.s32 $0x1BFF;
	s21 =	sshll.u32 s5, $0x1;
	s2 =	sadd.s32 s19, s18  }
0x9c: {  	s6 =	simm.s32 $0x0;
	s20 =	sshll.u32 s4, $0x1;
	s4 =	sadd.s32 s21, s2  }
0x9d: {  	[timem:s6], [sflag:s22] =	dma.local [hbm:s4], s20  }
0x9e: {  	_ =	swait.ge [sflag:s22], s20  }
0x9f: {  	s3 =	ssub.s32 $0x0, s20;
	[sflag:s22] =	ssyncset.done $0x0  }
0xa0: {  	[sflag:s22] =	ssyncadd.s32 s3;
	_ =	sdelay $0x1  }
0xa1: {  	s23 =	simm.s32 $0x1B8B  }
0xa2: {  	_ =	swait.ge [sflag:s23], $0x1  }
0xa3: {  	[sflag:s23] =	ssyncset.done $0x0  }
0xa4: {  	s25 =	simm.s32 $0x1B8E;
	s24 =	sld [smem:$0x3FFE];
	[sflag:s23] =	ssyncadd.s32 $0xFFFFFFFF  }
0xa5: {  	s26 =	simm.s32 $execute0_lowered;
	[smem:$0x3FD2] =	sst s25  }
0xa6: {  	s4 =	sshll.u32 s26, $0x1;
	_ =	strace $0x80000049;
	[dreg:$0x1] =	wrdreg $0xFFFFFFFF  }
0xa7: {  	s28 =	simm.s32 $_size_execute0_lowered;
	s2 =	sadd.s32 s2, s4;
	[dreg:$0x0] =	wrdreg $0x0  }
0xa8: {  	s4 =	sshll.u32 s28, $0x1;
	[dreg:$0x2] =	wrdreg s2  }
0xa9: {  	[dreg:$0x3] =	wrdreg s4  }
0xaa: {  	[dreg:$0x4] =	wrdreg $0xC0  }
0xab: {  	_ =	task [dreg:s6], $0x5FFFF  }
0xac: {  	[dreg:$0x1] =	wrdreg $0xFFFFFFFF  }
0xad: {  	[dreg:$0x0] =	wrdreg $0x60  }
0xae: {  	[dreg:$0x2] =	wrdreg s24  }
0xaf: {  	[dreg:$0x3] =	wrdreg $0xB9000  }
0xb0: {  	[dreg:$0x4] =	wrdreg $0x9  }
0xb1: {  	_ =	task.clear_ibuf [dreg:s6], $0x5FFFF;
	_ =	strace $0x90000049  }
0xb2: {  	s29 =	simm.s32 $0x9;
	_ =	strace $0x8000004B  }
0xb3: {  	_ =	swait.ge [sflag:s29], $0x1  }
0xb4: {  	[sflag:s29] =	ssyncadd.s32 $0xFFFFFFFF  }
0xb5: {  	_ =	strace $0x9000004B  }
0xb6: {  	_ =	sfence  }
0xb7: {  	s30 =	sld [smem:$0x0];
	_ =	sdelay $0x2  }
0xb8: {  	s31 =	sshll.u32 s1, $0xD;
	s1 =	sshrl.u32 s1, $0x2  }
0xb9: {  	s3 =	sand.u32 $0x4000, s31;
	s1 =	sadd.s32 s1, s30  }
0xba: {  	s0 =	sor.u32 s3, s0;
	s1 =	sshll.u32 s1, $0x11  }
0xbb: {  	s0 =	sor.u32 s1, s0  }
0xbc: {  	s0 =	sadd.s32 $0x8F2B, s0  }
0xbd: {  	[sflag:s0] =	ssyncadd.remote.s32 $0x1  }
0xbe: {  	_ =	sfence.sel $0xFFFF  }
0xbf: {  	[dreg:$0x0] =	wrdreg $0xFFFFFFFF;
	(pc) =	sbr.abs _section_cstart, $3  }
0xc0: {  	[dreg:$0x1] =	wrdreg $0xFFFFFFFF  }
0xc1: {  	_ =	task.clear_ibuf [dreg:s6], $0x2FFFF;
	_ =	strace $0x9FFFFFFF  }
0xc2: {  	(tm) =	ssettm $0x7FFFFFFF  }
0xc3: {  	_ =	shalt  }
tec
execute0_lowered:
.L_overlay_start_1:
0x0: {  	(tag) =	ssettag $0x1  }
0x1: {  	s0 =	rddreg [dreg:$0x0]  }
0x2: {  	s1 =	rddreg [dreg:$0x1];
	s2 =	simm.s32 $0x0;
	s21 =	srdreg.scid  }
0x3: {  	s12 =	stileid.u32;
	s28 =	simm.s32 $0x5100;
	s29 =	simm.s32 $0x1  }
0x4: {  	s30 =	simm.s32 $0x0;
	s31 =	simm.s32 $0x0;
	[smem:$0x7FF] =	sst s2  }
0x5: {  	s3 =	sadd.s32 $0xE600, s0;
	s4 =	sadd.s32 $0x4800, s0;
	s5 =	sadd.s32 $0x18400, s0  }
0x6: {  	s7 =	sadd.s32 $0x22200, s0;
	s8 =	sadd.s32 $0x504200, s0;
	s9 =	smul.u32 $0x50000, s12  }
0x7: {  	s0 =	sadd.s32 $0x97800, s0;
	s14 =	smul.u32 $0x14000, s12;
	_ =	strace $0x8000004A  }
0x8: {  	[dreg:$0x3] =	wrdreg s5;
	s5 =	sand.u32 $0x1, s21;
	s21 =	simm.s32 $0x2  }
0x9: {  	s6 =	ssub.s32 $0x2, s5;
	s11 =	sshll.u32 s5, $0x4;
	s23 =	sshrl.u32 s9, $0x2  }
0xa: {  	s15 =	sadd.s32 $0x4000, s14;
	s16 =	sadd.s32 $0x8000, s14;
	s17 =	sadd.s32 $0xC000, s14  }
0xb: {  	s5 =	smul.u32 $0x140000, s5;
	s18 =	sadd.s32 $0x10000, s14;
	s10 =	sshrl.u32 s6, $0x1  }
0xc: {  	s22 =	sor.u32 s12, s11;
	s11 =	sadd.s32 s15, s1;
	s12 =	sadd.s32 s16, s1  }
0xd: {  	s13 =	sadd.s32 s17, s1;
	s6 =	ssub.s32 s6, s10;
	s9 =	smul.u32 $0x2710, s22  }
0xe: {  	s10 =	sadd.s32 s23, s1;
	s19 =	sadd.s32 s14, s5;
	s15 =	sadd.s32 s5, s15  }
0xf: {  	s14 =	sadd.s32 s18, s1;
	s24 =	sadd.s32 s5, s16;
	s25 =	sadd.s32 s5, s17  }
0x10: {  	s5 =	sadd.s32 s5, s18;
	s22 =	simm.s32 $0x7900;
	s23 =	simm.s32 $0x2780  }
0x11: {  	s19 =	sshrl.u32 s19, $0x3;
	s15 =	sshrl.u32 s15, $0x3;
	s26 =	sshrl.u32 s25, $0x3  }
0x12: {  	s5 =	sshrl.u32 s5, $0x3;
	s20 =	smax.u32 s6, $0x1;
	s15 =	sadd.s32 s0, s15  }
0x13: {  	s19 =	sadd.s32 s0, s19;
	[dreg:$0x5] =	wrdreg s15;
	s15 =	sshrl.u32 s24, $0x3  }
0x14: {  	s25 =	simm.s32 $0x2900;
	[dreg:$0x4] =	wrdreg s19;
	s15 =	sadd.s32 s0, s15  }
0x15: {  	s19 =	sadd.s32 s0, s5;
	[dreg:$0x6] =	wrdreg s15;
	s15 =	sadd.s32 s0, s26  }
0x16: {  	v0 =	vimm.f32 $0.0e+00;
	s24 =	simm.s32 $0x2800;
	s26 =	simm.s32 $0x50;
	[dreg:$0x7] =	wrdreg s15  }
.LBB2_1:
0x17: {  	s0 =	rddreg [dreg:$0x3]  }
0x18: {  	[tilespmem:s2], [sflag:$0x2] =	stream.linear.gather [hbm4b:s0+s2], $0x2780, $0x38;
	[tilespmem:$0x1F900] =	vst v63  }
0x19: {  	_ =	swait.ge [sflag:s21], $0x2780  }
0x1a: {  	[sflag:s21] =	ssyncset.done $0x0  }
0x1b: {  	s5 =	simm.s32 $0x200;
	s0 =	simm.s32 $0x0;
	[sflag:s21] =	ssyncadd.s32 $0xFFFFD880  }
.LBB2_2:
0x1c: {  	p0 =	sne.s32 s5, $0xFE00;
	[tilespmem:s0+$0x7970] =	vst v0  }
0x1d: {  	[tilespmem:s0+$0x7900] =	vst v0  }
0x1e: {  	[tilespmem:s0+$0x7910] =	vst v0  }
.Ltmp0:
0x1f: {  	[tilespmem:s0+$0x7920] =	vst v0;
	(pc) =	sbr.rel @p0 .LBB2_2-.Ltmp0, $4  }
0x20: {  	[tilespmem:s0+$0x7930] =	vst v0  }
0x21: {  	[tilespmem:s0+$0x7940] =	vst v0  }
0x22: {  	[tilespmem:s0+$0x7950] =	vst v0  }
0x23: {  	[tilespmem:s0+$0x7960] =	vst v0;
	s0 =	sshra.s32 s5, $0x2;
	s5 =	sadd.s32 $0x200, s5  }
0x24: {  	[tilespmem:s0+$0x7970] =	vst v0  }
0x25: {  	[tilespmem:s0+$0x7900] =	vst v0  }
0x26: {  	[tilespmem:s0+$0x7910] =	vst v0  }
0x27: {  	[tilespmem:s0+$0x7920] =	vst v0  }
0x28: {  	[tilespmem:s0+$0x7930] =	vst v0  }
0x29: {  	[tilespmem:s0+$0x7940] =	vst v0  }
0x2a: {  	[tilespmem:s0+$0x7950] =	vst v0  }
0x2b: {  	[tilespmem:s0+$0x7960] =	vst v0  }
0x2c: {  	[spmem:s10] =	stream.linear.scatter [tilespmem:s22], [sflag:$0x2], $0x4000, $0x38;
	[tilespmem:$0x1F900] =	vst v63  }
0x2d: {  	_ =	swait.ge [sflag:s21], $0x4000  }
0x2e: {  	[sflag:s21] =	ssyncset.done $0x0  }
0x2f: {  	[sflag:s21] =	ssyncadd.s32 $0xFFFFC000  }
0x30: {  	[spmem:s11] =	stream.linear.scatter [tilespmem:s22], [sflag:$0x2], $0x4000, $0x38;
	[tilespmem:$0x1F900] =	vst v63  }
0x31: {  	_ =	swait.ge [sflag:s21], $0x4000  }
0x32: {  	[sflag:s21] =	ssyncset.done $0x0  }
0x33: {  	[sflag:s21] =	ssyncadd.s32 $0xFFFFC000  }
0x34: {  	[spmem:s12] =	stream.linear.scatter [tilespmem:s22], [sflag:$0x2], $0x4000, $0x38;
	[tilespmem:$0x1F900] =	vst v63  }
0x35: {  	_ =	swait.ge [sflag:s21], $0x4000  }
0x36: {  	[sflag:s21] =	ssyncset.done $0x0  }
0x37: {  	[sflag:s21] =	ssyncadd.s32 $0xFFFFC000  }
0x38: {  	[spmem:s13] =	stream.linear.scatter [tilespmem:s22], [sflag:$0x2], $0x4000, $0x38;
	[tilespmem:$0x1F900] =	vst v63  }
0x39: {  	_ =	swait.ge [sflag:s21], $0x4000  }
0x3a: {  	[sflag:s21] =	ssyncset.done $0x0  }
0x3b: {  	[sflag:s21] =	ssyncadd.s32 $0xFFFFC000  }
0x3c: {  	[spmem:s14] =	stream.linear.scatter [tilespmem:s22], [sflag:$0x2], $0x4000, $0x38;
	[tilespmem:$0x1F900] =	vst v63  }
0x3d: {  	_ =	swait.ge [sflag:s21], $0x4000  }
0x3e: {  	[sflag:s21] =	ssyncset.done $0x0  }
0x3f: {  	[sflag:s21] =	ssyncadd.s32 $0xFFFFC000  }
0x40: {  	s0 =	simm.s32 $0x0;
	[bflag:$0x0] =	sbarrier.arrive $0xFFFF  }
.LBB2_4:
0x41: {  	s5 =	smul.u32 $0x50, s0;
	_ =	sdelay $0x1  }
0x42: {  	s5 =	sadd.s32 s9, s5  }
0x43: {  	s6 =	sshrl.u32 s5, $0x3  }
0x44: {  	s15 =	sadd.s32 s3, s6  }
0x45: {  	[tilespmem:s23], [sflag:$0x2] =	stream.linear.gather [hbm4b:s15+s31], $0x50, $0x38;
	[tilespmem:$0x1F900] =	vst v63  }
0x46: {  	_ =	swait.ge [sflag:s21], $0x50  }
0x47: {  	[sflag:s21] =	ssyncset.done $0x0  }
0x48: {  	s6 =	sadd.s32 s4, s6;
	[sflag:s21] =	ssyncadd.s32 $0xFFFFFFB0  }
0x49: {  	[tilespmem:s24], [sflag:$0x2] =	stream.linear.gather [hbm4b:s6+s31], $0x50, $0x38;
	[tilespmem:$0x1F900] =	vst v63  }
0x4a: {  	_ =	swait.ge [sflag:s21], $0x50  }
0x4b: {  	s5 =	sshll.u32 s5, $0x4;
	[sflag:s21] =	ssyncset.done $0x0  }
0x4c: {  	s5 =	sadd.s32 s8, s5;
	[sflag:s21] =	ssyncadd.s32 $0xFFFFFFB0  }
0x4d: {  	[tilespmem:s25], [sflag:$0x2] =	stream.linear.gather [hbm4b:s5+s31], $0x2800, $0x38;
	[tilespmem:$0x1F900] =	vst v63  }
0x4e: {  	_ =	swait.ge [sflag:s21], $0x2800  }
0x4f: {  	[sflag:s21] =	ssyncset.done $0x0  }
0x50: {  	[sflag:s21] =	ssyncadd.s32 $0xFFFFD800  }
0x51: {  	[tilespmem:s28], [sflag:$0x1] =	stream.indirect.gather [hbm4b:s7+s26], $0x80, s23, s26, $0xb8;
	[tilespmem:$0x1F900] =	vst v63  }
0x52: {  	_ =	swait.ge [sflag:s29], $0x2800  }
0x53: {  	[sflag:s29] =	ssyncset.done $0x0  }
0x54: {  	[sflag:s29] =	ssyncadd.s32 $0xFFFFD800  }
0x55: {  	v1 =	vld [tilespmem:$0x2780]  }
0x56: {  	v2 =	vld [tilespmem:$0x2800];
	_ =	sdelay $0x5  }
0x57: {  	v3 =	vld [tilespmem:$0x2790]  }
0x58: {  	v1 =	vld.idx.msk [tilespmem:v1+s31+$0x0], $0xffff  }
0x59: {  	v2 =	vld.idx.msk [tilespmem:v2+s31+$0x0], $0xffff  }
0x5a: {  	v4 =	vld [tilespmem:$0x2810];
	_ =	sdelay $0x3  }
0x5b: {  	v1 =	vmul.f32 v2, v1;
	_ =	sdelay $0x1  }
0x5c: {  	[tilespmem:$0x2880] =	vst v1  }
0x5d: {  	v1 =	vld.idx.msk [tilespmem:v3+s31+$0x0], $0xffff  }
0x5e: {  	v2 =	vld.idx.msk [tilespmem:v4+s31+$0x0], $0xffff  }
0x5f: {  	v3 =	vld [tilespmem:$0x27A0]  }
0x60: {  	v4 =	vld [tilespmem:$0x2820];
	_ =	sdelay $0x3  }
0x61: {  	v1 =	vmul.f32 v2, v1;
	_ =	sdelay $0x1  }
0x62: {  	[tilespmem:$0x2890] =	vst v1  }
0x63: {  	v1 =	vld.idx.msk [tilespmem:v3+s31+$0x0], $0xffff  }
0x64: {  	v2 =	vld.idx.msk [tilespmem:v4+s31+$0x0], $0xffff  }
0x65: {  	v3 =	vld [tilespmem:$0x27B0]  }
0x66: {  	v4 =	vld [tilespmem:$0x2830];
	_ =	sdelay $0x3  }
0x67: {  	v1 =	vmul.f32 v2, v1;
	_ =	sdelay $0x1  }
0x68: {  	[tilespmem:$0x28A0] =	vst v1  }
0x69: {  	v1 =	vld.idx.msk [tilespmem:v3+s31+$0x0], $0xffff  }
0x6a: {  	v2 =	vld.idx.msk [tilespmem:v4+s31+$0x0], $0xffff  }
0x6b: {  	v3 =	vld [tilespmem:$0x27C0]  }
0x6c: {  	v4 =	vld [tilespmem:$0x2840];
	_ =	sdelay $0x3  }
0x6d: {  	v1 =	vmul.f32 v2, v1;
	_ =	sdelay $0x1  }
0x6e: {  	[tilespmem:$0x28B0] =	vst v1  }
0x6f: {  	v1 =	vld.idx.msk [tilespmem:v3+s31+$0x0], $0xffff  }
0x70: {  	v2 =	vld.idx.msk [tilespmem:v4+s31+$0x0], $0xffff;
	_ =	sdelay $0x4  }
0x71: {  	v1 =	vmul.f32 v2, v1;
	_ =	sdelay $0x1  }
0x72: {  	s5 =	simm.s32 $0x0;
	[tilespmem:$0x28C0] =	vst v1  }
0x73: {  	v1 =	vld [tilespmem:s5+$0x2920]  }
0x74: {  	v2 =	vld [tilespmem:s5+$0x2930]  }
0x75: {  	v3 =	vld [tilespmem:s5+$0x2970]  }
0x76: {  	v4 =	vld [tilespmem:s5+$0x2950]  }
0x77: {  	v5 =	vld [tilespmem:s5+$0x5150]  }
0x78: {  	v6 =	vld [tilespmem:s5+$0x2940]  }
0x79: {  	v7 =	vld [tilespmem:s5+$0x2910]  }
0x7a: {  	v8 =	vld [tilespmem:s5+$0x2900]  }
0x7b: {  	v9 =	vld [tilespmem:s5+$0x5140]  }
0x7c: {  	v10 =	vld [tilespmem:s5+$0x5130]  }
0x7d: {  	v11 =	vld [tilespmem:s5+$0x5120];
	v4 =	vmul.f32 v4, v5  }
0x7e: {  	v5 =	vld [tilespmem:s5+$0x5170]  }
0x7f: {  	v12 =	vld [tilespmem:s5+$0x5100];
	v4 =	vadd.f32 v4, v4  }
0x80: {  	v13 =	vld [tilespmem:s5+$0x5110]  }
0x81: {  	v6 =	vmul.f32 v6, v9;
	v4 =	vmul.f32 $1.442695020e+00, v4  }
0x82: {  	v2 =	vmul.f32 v2, v10;
	v1 =	vmul.f32 v1, v11  }
0x83: {  	v63 =	vld [tilespmem:s5+$0x5160];
	v3 =	vmul.f32 v3, v5;
	(erf) = vpow2.f32 v4;
	v4 =	vadd.f32 v6, v6  }
0x84: {  	v62 =	vmul.f32 v8, v12;
	v2 =	vadd.f32 v2, v2;
	v1 =	vadd.f32 v1, v1;
	v5 =	vld [tilespmem:s5+$0x2960]  }
0x85: {  	v7 =	vmul.f32 v7, v13;
	v3 =	vadd.f32 v3, v3;
	v4 =	vmul.f32 $1.442695020e+00, v4  }
0x86: {  	v2 =	vmul.f32 $1.442695020e+00, v2;
	v1 =	vmul.f32 $1.442695020e+00, v1;
	v6 =	vadd.f32 v62, v62  }
0x87: {  	v3 =	vmul.f32 $1.442695020e+00, v3;
	(erf) = vpow2.f32 v4  }
0x88: {  	(erf) = vpow2.f32 v2;
	v2 =	vmul.f32 $1.442695020e+00, v6  }
0x89: {  	v4 =	vadd.f32 v7, v7;
	(erf) = vpow2.f32 v3;
	v3 =	vmul.f32 v5, v63;
	_ =	sdelay $0x1  }
0x8a: {  	v4 =	vmul.f32 $1.442695020e+00, v4;
	(erf) = vpow2.f32 v1;
	v1 =	vadd.f32 v3, v3  }
0x8b: {  	(erf) = vpow2.f32 v2  }
0x8c: {  	v2 =	vpop (erf);
	(erf) = vpow2.f32 v4;
	v1 =	vmul.f32 $1.442695020e+00, v1  }
0x8d: {  	v2 =	vadd.f32 $1.000000000e+00, v2;
	_ =	sdelay $0x1  }
0x8e: {  	(erf) = vrcp.f32 v2  }
0x8f: {  	(erf) = vpow2.f32 v1;
	v1 =	vpop (erf)  }
0x90: {  	v2 =	vpop (erf)  }
0x91: {  	v1 =	vadd.f32 $1.000000000e+00, v1;
	v3 =	vpop (erf)  }
0x92: {  	v2 =	vadd.f32 $1.000000000e+00, v2;
	v4 =	vpop (erf)  }
0x93: {  	v3 =	vadd.f32 $1.000000000e+00, v3;
	(erf) = vrcp.f32 v1;
	v1 =	vadd.f32 $1.000000000e+00, v4;
	v4 =	vpop (erf)  }
0x94: {  	(erf) = vrcp.f32 v2;
	v2 =	vadd.f32 $1.000000000e+00, v4;
	v4 =	vpop (erf)  }
0x95: {  	(erf) = vrcp.f32 v3;
	v3 =	vadd.f32 $1.000000000e+00, v4  }
0x96: {  	(erf) = vrcp.f32 v1  }
0x97: {  	(erf) = vrcp.f32 v2  }
0x98: {  	s6 =	simm.s32 $0x2880;
	(erf) = vrcp.f32 v3;
	v2 =	vpop (erf)  }
0x99: {  	s16 =	simm.s32 $0x400;
	s15 =	simm.s32 $0x200;
	v1 =	vld.msk [tilespmem:s6+$0x0 ss:$0x0], $0xffff;
	v2 =	vadd.f32 v2, v2;
	v3 =	vpop (erf)  }
.LBB2_5:
0x9a: {  	s17 =	sshra.s32 s15, $0x2  }
0x9b: {  	v3 =	vadd.f32 $1.000000000e+00, v3;
	s6 =	sadd.s32 $0x1, s6;
	s15 =	smov.u32 s16;
	s18 =	sadd.s32 $0x200, s16  }
0x9c: {  	p0 =	sne.s32 s16, $0x9E00;
	v4 =	vld [tilespmem:s17+$0x2920];
	v2 =	vsub.f32 $1.000000000e+00, v2;
	v5 =	vpop (erf)  }
0x9d: {  	v6 =	vld [tilespmem:s17+$0x2930];
	v5 =	vadd.f32 v5, v5;
	v7 =	vpop (erf);
	(erf) = vrcp.f32 v3  }
0x9e: {  	v3 =	vld [tilespmem:s17+$0x2970];
	v7 =	vadd.f32 v7, v7;
	v12 =	vmul.f32 v2, v1;
	v8 =	vpop (erf)  }
0x9f: {  	v9 =	vld [tilespmem:s17+$0x2950];
	v5 =	vsub.f32 $1.000000000e+00, v5;
	v8 =	vadd.f32 v8, v8;
	v10 =	vpop (erf)  }
0xa0: {  	v11 =	vld [tilespmem:s17+$0x2940];
	v10 =	vadd.f32 v10, v10;
	v7 =	vsub.f32 $1.000000000e+00, v7;
	[tilespmem:s5+$0x5150] =	vst v12;
	v2 =	vpop (erf)  }
0xa1: {  	v12 =	vld [tilespmem:s17+$0x5150];
	v2 =	vadd.f32 v2, v2;
	v5 =	vmul.f32 v5, v1;
	v8 =	vsub.f32 $1.000000000e+00, v8;
	v13 =	vpop (erf)  }
0xa2: {  	v14 =	vld [tilespmem:s17+$0x2910];
	v13 =	vadd.f32 v13, v13;
	v10 =	vsub.f32 $1.000000000e+00, v10;
	v7 =	vmul.f32 v7, v1  }
0xa3: {  	v15 =	vld [tilespmem:s17+$0x2900];
	v2 =	vsub.f32 $1.000000000e+00, v2;
	[tilespmem:s5+$0x5140] =	vst v5;
	v5 =	vmul.f32 v8, v1  }
0xa4: {  	v8 =	vld [tilespmem:s17+$0x5140];
	v13 =	vsub.f32 $1.000000000e+00, v13;
	v16 =	vmul.f32 v10, v1;
	[tilespmem:s5+$0x5130] =	vst v7  }
0xa5: {  	v7 =	vld [tilespmem:s17+$0x5130];
	v2 =	vmul.f32 v2, v1;
	[tilespmem:s5+$0x5170] =	vst v5  }
0xa6: {  	v5 =	vmul.f32 v9, v12;
	v9 =	vld [tilespmem:s17+$0x5170];
	v12 =	vmul.f32 v13, v1;
	[tilespmem:s5+$0x5120] =	vst v16;
	v10 =	vpop (erf)  }
0xa7: {  	v13 =	vld [tilespmem:s17+$0x5120];
	[tilespmem:s5+$0x5100] =	vst v2;
	v2 =	vadd.f32 v10, v10  }
0xa8: {  	v10 =	vld [tilespmem:s17+$0x5100];
	v5 =	vadd.f32 v5, v5;
	[tilespmem:s5+$0x5110] =	vst v12  }
0xa9: {  	v12 =	vld [tilespmem:s17+$0x5110];
	v8 =	vmul.f32 v11, v8;
	v2 =	vsub.f32 $1.000000000e+00, v2  }
0xaa: {  	v6 =	vmul.f32 v6, v7;
	v5 =	vmul.f32 $1.442695020e+00, v5  }
0xab: {  	v7 =	vadd.f32 v8, v8;
	v3 =	vmul.f32 v3, v9;
	v1 =	vmul.f32 v2, v1  }
0xac: {  	v2 =	vmul.f32 v4, v13;
	v4 =	vadd.f32 v6, v6;
	(erf) = vpow2.f32 v5  }
0xad: {  	v5 =	vmul.f32 v15, v10;
	v6 =	vmul.f32 $1.442695020e+00, v7;
	v7 =	vld [tilespmem:s17+$0x2960];
	v3 =	vadd.f32 v3, v3;
	[tilespmem:s5+$0x5160] =	vst v1;
	s5 =	smov.u32 s17  }
0xae: {  	v1 =	vmul.f32 v14, v12;
	v2 =	vadd.f32 v2, v2;
	v4 =	vmul.f32 $1.442695020e+00, v4;
	v8 =	vld [tilespmem:s5+$0x5160]  }
0xaf: {  	v5 =	vadd.f32 v5, v5;
	v3 =	vmul.f32 $1.442695020e+00, v3;
	(erf) = vpow2.f32 v6  }
0xb0: {  	v1 =	vadd.f32 v1, v1;
	v2 =	vmul.f32 $1.442695020e+00, v2;
	(erf) = vpow2.f32 v4  }
0xb1: {  	v4 =	vmul.f32 $1.442695020e+00, v5;
	(erf) = vpow2.f32 v3  }
0xb2: {  	v1 =	vmul.f32 $1.442695020e+00, v1;
	(erf) = vpow2.f32 v2  }
0xb3: {  	v3 =	vmul.f32 v7, v8;
	(erf) = vpow2.f32 v4  }
0xb4: {  	(erf) = vpow2.f32 v1  }
0xb5: {  	v1 =	vadd.f32 v3, v3;
	v2 =	vpop (erf)  }
0xb6: {  	v2 =	vadd.f32 $1.000000000e+00, v2  }
0xb7: {  	v1 =	vmul.f32 $1.442695020e+00, v1  }
0xb8: {  	v3 =	vpop (erf);
	(erf) = vrcp.f32 v2  }
0xb9: {  	v2 =	vadd.f32 $1.000000000e+00, v3;
	v3 =	vpop (erf);
	(erf) = vpow2.f32 v1  }
0xba: {  	v1 =	vadd.f32 $1.000000000e+00, v3;
	v3 =	vpop (erf)  }
0xbb: {  	v3 =	vadd.f32 $1.000000000e+00, v3;
	v4 =	vpop (erf);
	(erf) = vrcp.f32 v2  }
0xbc: {  	v2 =	vadd.f32 $1.000000000e+00, v4;
	v4 =	vpop (erf);
	(erf) = vrcp.f32 v1  }
0xbd: {  	v1 =	vadd.f32 $1.000000000e+00, v4;
	v4 =	vpop (erf);
	(erf) = vrcp.f32 v3  }
.Ltmp1:
0xbe: {  	v3 =	vadd.f32 $1.000000000e+00, v4;
	(erf) = vrcp.f32 v2;
	(pc) =	sbr.rel @p0 .LBB2_5-.Ltmp1, $4  }
0xbf: {  	(erf) = vrcp.f32 v1  }
0xc0: {  	v1 =	vld.msk [tilespmem:s6+$0x0 ss:$0x0], $0xffff;
	(erf) = vrcp.f32 v3  }
0xc1: {  	v2 =	vpop (erf)  }
0xc2: {  	s16 =	smov.u32 s18;
	v2 =	vadd.f32 v2, v2;
	v3 =	vpop (erf)  }
0xc3: {  	_ = 	snop  }
0xc4: {  	s15 =	sshra.s32 s15, $0x2;
	v3 =	vadd.f32 $1.000000000e+00, v3;
	v2 =	vsub.f32 $1.000000000e+00, v2  }
0xc5: {  	v4 =	vld [tilespmem:s15+$0x2920]  }
0xc6: {  	v5 =	vld [tilespmem:s15+$0x2930];
	v6 =	vpop (erf);
	(erf) = vrcp.f32 v3;
	v2 =	vmul.f32 v2, v1  }
0xc7: {  	v7 =	vld [tilespmem:s15+$0x2970];
	v6 =	vadd.f32 v6, v6;
	v9 =	vpop (erf)  }
0xc8: {  	v8 =	vld [tilespmem:s15+$0x2950];
	v9 =	vadd.f32 v9, v9  }
0xc9: {  	v10 =	vld [tilespmem:s15+$0x2940];
	v6 =	vsub.f32 $1.000000000e+00, v6;
	[tilespmem:s5+$0x5150] =	vst v2  }
0xca: {  	v9 =	vsub.f32 $1.000000000e+00, v9;
	v3 =	vld [tilespmem:s15+$0x5150];
	v2 =	vpop (erf)  }
0xcb: {  	v6 =	vmul.f32 v6, v1;
	v2 =	vadd.f32 v2, v2;
	v12 =	vpop (erf)  }
0xcc: {  	v11 =	vld [tilespmem:s15+$0x2910];
	v9 =	vmul.f32 v9, v1;
	v12 =	vadd.f32 v12, v12;
	v46 =	vpop (erf)  }
0xcd: {  	v13 =	vld [tilespmem:s15+$0x2900];
	[tilespmem:s5+$0x5140] =	vst v6;
	v2 =	vsub.f32 $1.000000000e+00, v2;
	v6 =	vadd.f32 v46, v46;
	v47 =	vpop (erf)  }
0xce: {  	v14 =	vld [tilespmem:s15+$0x5140];
	[tilespmem:s5+$0x5130] =	vst v9;
	v12 =	vsub.f32 $1.000000000e+00, v12;
	v9 =	vadd.f32 v47, v47  }
0xcf: {  	v3 =	vmul.f32 v8, v3;
	v48 =	vpop (erf);
	v2 =	vmul.f32 v2, v1;
	v6 =	vsub.f32 $1.000000000e+00, v6  }
0xd0: {  	v8 =	vadd.f32 v48, v48;
	v12 =	vmul.f32 v12, v1;
	v9 =	vsub.f32 $1.000000000e+00, v9  }
0xd1: {  	v15 =	vld [tilespmem:s15+$0x5130];
	[tilespmem:s5+$0x5170] =	vst v2;
	v6 =	vmul.f32 v6, v1  }
0xd2: {  	v3 =	vadd.f32 v3, v3;
	v8 =	vsub.f32 $1.000000000e+00, v8;
	v2 =	vld [tilespmem:s15+$0x5170];
	[tilespmem:s5+$0x5120] =	vst v12;
	v9 =	vmul.f32 v9, v1  }
0xd3: {  	v12 =	vld [tilespmem:s15+$0x5120];
	[tilespmem:s5+$0x5100] =	vst v6  }
0xd4: {  	v3 =	vmul.f32 $1.442695020e+00, v3;
	v1 =	vmul.f32 v8, v1;
	v6 =	vld [tilespmem:s15+$0x5100];
	[tilespmem:s5+$0x5110] =	vst v9  }
0xd5: {  	v49 =	vmul.f32 v10, v14;
	v9 =	vld [tilespmem:s15+$0x5110]  }
0xd6: {  	v5 =	vmul.f32 v5, v15;
	(erf) = vpow2.f32 v3;
	v3 =	vld [tilespmem:s15+$0x2960];
	[tilespmem:s5+$0x5160] =	vst v1  }
0xd7: {  	v1 =	vadd.f32 v49, v49;
	v50 =	vld [tilespmem:s15+$0x5160]  }
0xd8: {  	v5 =	vadd.f32 v5, v5;
	v2 =	vmul.f32 v7, v2  }
0xd9: {  	v1 =	vmul.f32 $1.442695020e+00, v1;
	v4 =	vmul.f32 v4, v12  }
0xda: {  	v5 =	vmul.f32 $1.442695020e+00, v5;
	v6 =	vmul.f32 v13, v6;
	v2 =	vadd.f32 v2, v2  }
0xdb: {  	(erf) = vpow2.f32 v1;
	v51 =	vmul.f32 v11, v9;
	v4 =	vadd.f32 v4, v4  }
0xdc: {  	v2 =	vmul.f32 $1.442695020e+00, v2;
	v3 =	vmul.f32 v3, v50  }
0xdd: {  	(erf) = vpow2.f32 v5;
	v6 =	vadd.f32 v6, v6;
	v1 =	vmul.f32 $1.442695020e+00, v4  }
0xde: {  	v52 =	vadd.f32 v51, v51;
	(erf) = vpow2.f32 v2  }
0xdf: {  	v53 =	vmul.f32 $1.442695020e+00, v6;
	(erf) = vpow2.f32 v1;
	v1 =	vadd.f32 v3, v3  }
0xe0: {  	v2 =	vmul.f32 $1.442695020e+00, v52;
	v3 =	vpop (erf)  }
0xe1: {  	(erf) = vpow2.f32 v53;
	v3 =	vadd.f32 $1.000000000e+00, v3;
	v1 =	vmul.f32 $1.442695020e+00, v1  }
0xe2: {  	(erf) = vpow2.f32 v2  }
0xe3: {  	(erf) = vrcp.f32 v3  }
0xe4: {  	(erf) = vpow2.f32 v1  }
0xe5: {  	v1 =	vpop (erf)  }
0xe6: {  	v2 =	vpop (erf);
	v1 =	vadd.f32 $1.000000000e+00, v1  }
0xe7: {  	v3 =	vpop (erf);
	v2 =	vadd.f32 $1.000000000e+00, v2  }
0xe8: {  	v3 =	vadd.f32 $1.000000000e+00, v3  }
0xe9: {  	v54 =	vpop (erf)  }
0xea: {  	(erf) = vrcp.f32 v1;
	v1 =	vpop (erf)  }
0xeb: {  	v4 =	vadd.f32 $1.000000000e+00, v54;
	(erf) = vrcp.f32 v2;
	v2 =	vpop (erf)  }
0xec: {  	v1 =	vadd.f32 $1.000000000e+00, v1;
	(erf) = vrcp.f32 v3;
	v3 =	vpop (erf)  }
0xed: {  	v2 =	vadd.f32 $1.000000000e+00, v2;
	(erf) = vrcp.f32 v4;
	v55 =	vpop (erf)  }
0xee: {  	(erf) = vrcp.f32 v1;
	v1 =	vadd.f32 $1.000000000e+00, v55  }
0xef: {  	(erf) = vrcp.f32 v2  }
0xf0: {  	(erf) = vrcp.f32 v1  }
0xf1: {  	s18 =	sadd.s32 $0x1, s6  }
0xf2: {  	v1 =	vld.msk [tilespmem:s18+$0x0 ss:$0x0], $0xffff  }
0xf3: {  	v2 =	vadd.f32 v3, v3;
	v3 =	vpop (erf)  }
0xf4: {  	v3 =	vadd.f32 v3, v3;
	v56 =	vpop (erf)  }
0xf5: {  	v2 =	vsub.f32 $1.000000000e+00, v2;
	v4 =	vadd.f32 v56, v56;
	v57 =	vpop (erf)  }
0xf6: {  	v3 =	vsub.f32 $1.000000000e+00, v3;
	v5 =	vadd.f32 v57, v57;
	v58 =	vpop (erf)  }
0xf7: {  	v2 =	vmul.f32 v2, v1;
	v6 =	vadd.f32 v58, v58;
	v4 =	vsub.f32 $1.000000000e+00, v4;
	v59 =	vpop (erf)  }
0xf8: {  	v3 =	vmul.f32 v3, v1;
	v7 =	vadd.f32 v59, v59;
	v5 =	vsub.f32 $1.000000000e+00, v5;
	v60 =	vpop (erf)  }
0xf9: {  	[tilespmem:s15+$0x5150] =	vst v2;
	v2 =	vadd.f32 v60, v60;
	v6 =	vsub.f32 $1.000000000e+00, v6;
	v4 =	vmul.f32 v4, v1;
	v61 =	vpop (erf)  }
0xfa: {  	[tilespmem:s15+$0x5140] =	vst v3;
	v7 =	vsub.f32 $1.000000000e+00, v7;
	v3 =	vmul.f32 v5, v1;
	v62 =	vadd.f32 v61, v61  }
0xfb: {  	v2 =	vsub.f32 $1.000000000e+00, v2;
	v6 =	vmul.f32 v6, v1;
	[tilespmem:s15+$0x5130] =	vst v4  }
0xfc: {  	v63 =	vmul.f32 v7, v1;
	[tilespmem:s15+$0x5170] =	vst v3;
	v3 =	vsub.f32 $1.000000000e+00, v62  }
0xfd: {  	v2 =	vmul.f32 v2, v1;
	[tilespmem:s15+$0x5120] =	vst v6  }
0xfe: {  	s0 =	sadd.s32 $0x1, s0;
	[tilespmem:s15+$0x5100] =	vst v63;
	v1 =	vmul.f32 v3, v1  }
0xff: {  	p0 =	sne.s32 s0, $0x7D;
	[tilespmem:s15+$0x5110] =	vst v2  }
.Ltmp2:
0x100: {  	[tilespmem:s15+$0x5160] =	vst v1;
	(pc) =	sbr.rel @p0 .LBB2_4-.Ltmp2, $4  }
0x101: {  	[spmem:s1] =	stream.indirect.scatter.add.f32 [tilespmem:s28], [sflag:$0x2], $0x80, s24, s26, $0xb8;
	[tilespmem:$0x1F900] =	vst v63  }
0x102: {  	_ =	swait.ge [sflag:s21], $0x2800  }
0x103: {  	[sflag:s21] =	ssyncset.done $0x0  }
0x104: {  	[sflag:s21] =	ssyncadd.s32 $0xFFFFD800  }
0x105: {  	[bflag:$0x0] =	sbarrier.arrive $0xFFFF  }
0x106: {  	[tilespmem:s22], [sflag:$0x2] =	stream.linear.gather [spmem:s10], $0x4000, $0x38;
	[tilespmem:$0x1F900] =	vst v63  }
0x107: {  	_ =	swait.ge [sflag:s21], $0x4000  }
0x108: {  	[sflag:s21] =	ssyncset.done $0x0  }
0x109: {  	s0 =	rddreg [dreg:$0x4];
	[sflag:s21] =	ssyncadd.s32 $0xFFFFC000  }
0x10a: {  	[hbm4b:s0+s2] =	stream.linear.scatter [tilespmem:s22], [sflag:$0x2], $0x4000, $0x38;
	[tilespmem:$0x1F900] =	vst v63  }
0x10b: {  	_ =	swait.ge [sflag:s21], $0x4000  }
0x10c: {  	[sflag:s21] =	ssyncset.done $0x0  }
0x10d: {  	[sflag:s21] =	ssyncadd.s32 $0xFFFFC000  }
0x10e: {  	[tilespmem:s22], [sflag:$0x2] =	stream.linear.gather [spmem:s11], $0x4000, $0x38;
	[tilespmem:$0x1F900] =	vst v63  }
0x10f: {  	_ =	swait.ge [sflag:s21], $0x4000  }
0x110: {  	[sflag:s21] =	ssyncset.done $0x0  }
0x111: {  	s16 =	rddreg [dreg:$0x5];
	[sflag:s21] =	ssyncadd.s32 $0xFFFFC000  }
0x112: {  	[hbm4b:s16+s2] =	stream.linear.scatter [tilespmem:s22], [sflag:$0x2], $0x4000, $0x38;
	[tilespmem:$0x1F900] =	vst v63  }
0x113: {  	_ =	swait.ge [sflag:s21], $0x4000  }
0x114: {  	[sflag:s21] =	ssyncset.done $0x0  }
0x115: {  	[sflag:s21] =	ssyncadd.s32 $0xFFFFC000  }
0x116: {  	[tilespmem:s22], [sflag:$0x2] =	stream.linear.gather [spmem:s12], $0x4000, $0x38;
	[tilespmem:$0x1F900] =	vst v63  }
0x117: {  	_ =	swait.ge [sflag:s21], $0x4000  }
0x118: {  	[sflag:s21] =	ssyncset.done $0x0  }
0x119: {  	s17 =	rddreg [dreg:$0x6];
	[sflag:s21] =	ssyncadd.s32 $0xFFFFC000  }
0x11a: {  	[hbm4b:s17+s2] =	stream.linear.scatter [tilespmem:s22], [sflag:$0x2], $0x4000, $0x38;
	[tilespmem:$0x1F900] =	vst v63  }
0x11b: {  	_ =	swait.ge [sflag:s21], $0x4000  }
0x11c: {  	[sflag:s21] =	ssyncset.done $0x0  }
0x11d: {  	[sflag:s21] =	ssyncadd.s32 $0xFFFFC000  }
0x11e: {  	[tilespmem:s22], [sflag:$0x2] =	stream.linear.gather [spmem:s13], $0x4000, $0x38;
	[tilespmem:$0x1F900] =	vst v63  }
0x11f: {  	_ =	swait.ge [sflag:s21], $0x4000  }
0x120: {  	[sflag:s21] =	ssyncset.done $0x0  }
0x121: {  	s18 =	rddreg [dreg:$0x7];
	[sflag:s21] =	ssyncadd.s32 $0xFFFFC000  }
0x122: {  	[hbm4b:s18+s2] =	stream.linear.scatter [tilespmem:s22], [sflag:$0x2], $0x4000, $0x38;
	[tilespmem:$0x1F900] =	vst v63  }
0x123: {  	_ =	swait.ge [sflag:s21], $0x4000  }
0x124: {  	[sflag:s21] =	ssyncset.done $0x0  }
0x125: {  	[sflag:s21] =	ssyncadd.s32 $0xFFFFC000  }
0x126: {  	[tilespmem:s22], [sflag:$0x2] =	stream.linear.gather [spmem:s14], $0x4000, $0x38;
	[tilespmem:$0x1F900] =	vst v63  }
0x127: {  	s30 =	sadd.s32 $0x1, s30;
	_ =	swait.ge [sflag:s21], $0x4000  }
0x128: {  	p0 =	sne.s32 s30, s20;
	[sflag:s21] =	ssyncset.done $0x0  }
.Ltmp3:
0x129: {  	[sflag:s21] =	ssyncadd.s32 $0xFFFFC000;
	(pc) =	sbr.rel @p0 .LBB2_1-.Ltmp3, $4  }
0x12a: {  	[hbm4b:s19+s2] =	stream.linear.scatter [tilespmem:s22], [sflag:$0x2], $0x4000, $0x38;
	[tilespmem:$0x1F900] =	vst v63  }
0x12b: {  	_ =	swait.ge [sflag:s21], $0x4000  }
0x12c: {  	[sflag:s21] =	ssyncset.done $0x0  }
0x12d: {  	[sflag:s21] =	ssyncadd.s32 $0xFFFFC000  }
0x12e: {  	_ =	sfence.sel $0x180000  }
0x12f: {  	[bflag:$0x0] =	sbarrier.arrive $0xFFFF  }
0x130: {  	_ =	strace $0x9000004A  }
0x131: {  	s0 =	stileid.u32;
	[bflag:$0x2] =	sbarrier.arrive $0xFFFF  }
0x132: {  	p0 =	sne.s32 s0, $0x0;
	s0 =	rddreg [dreg:$0x2]  }
0x133: {  	s0 =	sadd.s32 @!p0 $0x100000, s0  }
0x134: {  	[sflag:s0] =	ssyncadd.tile.s32 @!p0 $0x1;
	_ =	shalt  }
.Lfunc_end2:
_tile_overlayer_lowered:
.L_overlay_start_2:
0x135: {  	(tag) =	ssettag $0x2  }
0x136: {  	s0 =	rddreg [dreg:$0x0];
	s2 =	stileid.u32  }
0x137: {  	s1 =	rddreg [dreg:$0x1];
	p0 =	sne.s32 s2, $0x0  }
0x138: {  	s3 =	rddreg [dreg:$0x2];
	[bflag:$0x3] =	sbarrier.arrive $0xFFFF;
	s2 =	simm.s32 @!p0 $0x1C02  }
0x139: {  	[timem:s3], [sflag:s2] =	dma.local @!p0 [hbm:s0], s1  }
0x13a: {  	s0 =	simm.s32 @!p0 $0x2  }
0x13b: {  	_ =	swait.ge @!p0 [sflag:s0], s1  }
0x13c: {  	s1 =	ssub.s32 @!p0 $0x0, s1;
	[sflag:s0] =	ssyncset.done @!p0 $0x0  }
0x13d: {  	[sflag:s0] =	ssyncadd.s32 @!p0 s1  }
0x13e: {  	[bflag:$0x3] =	sbarrier.arrive $0xFFFF  }
0x13f: {  	_ =	shalt  }

</sc_bundles>
